<compile_context>
chip_gen: v7x
topology: tpu7x:2x2x1
jax: 0.10.2.dev20260603
libtpu: 0.0.44.dev20260713+nightly
codegen_flags: <defaults>
</compile_context>

<pallas_src>
import functools

import jax
import jax.numpy as jnp
from jax import lax
from jax.experimental import pallas as pl
from jax.experimental.pallas import tpu as pltpu
from jax.experimental.pallas import tpu_sc as plsc

N = 10000
E = 320000
D = 128

NC = 2
NS = 16
NW = NC * NS
CL = 128

NP = 10240
RPC = NP // NS
GPW = NP // NW
LG = 64
YC = GPW // LG

EPT = 10240
EC = EPT // CL
PH = 2
HC = EC // PH
DUMP = NP - 8


def _sc_embed_deg(embed_hbm, yb_hbm, dstb_hbm, ones_hbm, ztile_hbm,
                  e_out, deg_out, y_v, dst_v, rows_v, ones_v, deg_sh, sem):
    c = lax.axis_index("c")
    s = lax.axis_index("s")
    wid = c * NS + s
    pltpu.sync_copy(yb_hbm.at[wid], y_v)
    pltpu.sync_copy(dstb_hbm.at[wid], dst_v)
    pltpu.sync_copy(ones_hbm, ones_v)
    pltpu.sync_copy(ztile_hbm, deg_sh.at[pl.ds(s * RPC, RPC)])
    plsc.subcore_barrier()

    def gbody(j, _):
        pltpu.async_copy(embed_hbm.at[y_v.at[j]], rows_v, sem).wait()
        pltpu.sync_copy(rows_v, e_out.at[pl.ds(wid * GPW + j * LG, LG)])
        return 0

    lax.fori_loop(0, YC, gbody, 0)

    def dbody(j, _):
        pltpu.sync_copy(ones_v, deg_sh.at[dst_v.at[j]], add=True)
        return 0

    lax.fori_loop(0, EC, dbody, 0)
    plsc.subcore_barrier()
    pltpu.sync_copy(deg_sh.at[pl.ds(s * RPC, RPC)],
                    deg_out.at[c, pl.ds(s * RPC, RPC)])


def _sc_edge_agg(xs_hbm, srcb_hbm, dstb_hbm, ztile_hbm, acc_out,
                 src_v, dst_v, buf0, buf1, acc_sh, sem0, sem1):
    c = lax.axis_index("c")
    s = lax.axis_index("s")
    wid = c * NS + s
    pltpu.sync_copy(ztile_hbm, acc_sh.at[pl.ds(s * RPC, RPC)])
    plsc.subcore_barrier()

    for p in range(PH):
        pltpu.sync_copy(srcb_hbm.at[wid, pl.ds(p * HC, HC)], src_v)
        pltpu.sync_copy(dstb_hbm.at[wid, pl.ds(p * HC, HC)], dst_v)

        pltpu.async_copy(xs_hbm.at[src_v.at[0]], buf0, sem0)
        pltpu.async_copy(xs_hbm.at[src_v.at[1]], buf1, sem1)

        def body(k, _):
            j0 = 2 * k
            pltpu.make_async_copy(xs_hbm.at[src_v.at[j0]], buf0, sem0).wait()
            pltpu.sync_copy(buf0, acc_sh.at[dst_v.at[j0]], add=True)
            pltpu.async_copy(xs_hbm.at[src_v.at[j0 + 2]], buf0, sem0)
            pltpu.make_async_copy(
                xs_hbm.at[src_v.at[j0 + 1]], buf1, sem1).wait()
            pltpu.sync_copy(buf1, acc_sh.at[dst_v.at[j0 + 1]], add=True)
            pltpu.async_copy(xs_hbm.at[src_v.at[j0 + 3]], buf1, sem1)
            return 0

        lax.fori_loop(0, HC // 2 - 1, body, 0)
        pltpu.make_async_copy(xs_hbm.at[src_v.at[HC - 2]], buf0, sem0).wait()
        pltpu.sync_copy(buf0, acc_sh.at[dst_v.at[HC - 2]], add=True)
        pltpu.make_async_copy(xs_hbm.at[src_v.at[HC - 1]], buf1, sem1).wait()
        pltpu.sync_copy(buf1, acc_sh.at[dst_v.at[HC - 1]], add=True)

    plsc.subcore_barrier()
    pltpu.sync_copy(acc_sh.at[pl.ds(s * RPC, RPC)],
                    acc_out.at[c, pl.ds(s * RPC, RPC)])


@functools.lru_cache(maxsize=None)
def _sc_kernels():
    mesh = plsc.VectorSubcoreMesh(core_axis_name="c", subcore_axis_name="s",
                                  num_cores=NC, num_subcores=NS)
    embed_deg = pl.kernel(
        _sc_embed_deg,
        out_type=(
            jax.ShapeDtypeStruct((NP, D), jnp.float32),
            jax.ShapeDtypeStruct((NC, NP, D), jnp.float32),
        ),
        mesh=mesh,
        scratch_types=[
            pltpu.VMEM((YC, LG), jnp.int32),
            pltpu.VMEM((EC, CL), jnp.int32),
            pltpu.VMEM((LG, D), jnp.float32),
            pltpu.VMEM((CL, D), jnp.float32),
            pltpu.VMEM_SHARED((NP, D), jnp.float32),
            pltpu.SemaphoreType.DMA,
        ],
    )
    edge_agg = pl.kernel(
        _sc_edge_agg,
        out_type=jax.ShapeDtypeStruct((NC, NP, D), jnp.float32),
        mesh=mesh,
        scratch_types=[
            pltpu.VMEM((HC, CL), jnp.int32),
            pltpu.VMEM((HC, CL), jnp.int32),
            pltpu.VMEM((CL, D), jnp.float32),
            pltpu.VMEM((CL, D), jnp.float32),
            pltpu.VMEM_SHARED((NP, D), jnp.float32),
            pltpu.SemaphoreType.DMA,
            pltpu.SemaphoreType.DMA,
        ],
    )
    return embed_deg, edge_agg


_BR = 2560


def _tc1_body(d0, d1, e, wn, bn, w1, xs1_ref, dinv_ref):
    dinv = lax.rsqrt(d0[...] + d1[...] + 1.0)
    x0 = jnp.dot(e[...], wn[...], preferred_element_type=jnp.float32) + bn[...]
    xw1 = jnp.dot(x0, w1[...], preferred_element_type=jnp.float32)
    xs1_ref[...] = dinv * xw1
    dinv_ref[...] = dinv


def _tc2_body(a0, a1, xs1, dinv, b1, w2, xs2_ref):
    h = jnp.maximum(dinv[...] * (a0[...] + a1[...] + xs1[...]) + b1[...], 0.0)
    xs2_ref[...] = dinv[...] * jnp.dot(h, w2[...],
                                       preferred_element_type=jnp.float32)


def _tc3_body(a0, a1, xs2, dinv, b2, out_ref):
    out_ref[...] = dinv[...] * (a0[...] + a1[...] + xs2[...]) + b2[...]


def _rows(shape):
    return pl.BlockSpec(shape, lambda i: (i,) + (0,) * (len(shape) - 1))


def _whole(shape):
    return pl.BlockSpec(shape, lambda i: (0,) * len(shape))


def _tc1(d0, d1, e, wn, bn, w1):
    return pl.pallas_call(
        _tc1_body,
        grid=(NP // _BR,),
        in_specs=[_rows((_BR, D)), _rows((_BR, D)), _rows((_BR, D)),
                  _whole((D, D)), _whole((1, D)), _whole((D, D))],
        out_specs=[_rows((_BR, D)), _rows((_BR, D))],
        out_shape=[jax.ShapeDtypeStruct((NP, D), jnp.float32),
                   jax.ShapeDtypeStruct((NP, D), jnp.float32)],
    )(d0, d1, e, wn, bn, w1)


def _tc2(a0, a1, xs1, dinv, b1, w2):
    return pl.pallas_call(
        _tc2_body,
        grid=(NP // _BR,),
        in_specs=[_rows((_BR, D)), _rows((_BR, D)), _rows((_BR, D)),
                  _rows((_BR, D)), _whole((1, D)), _whole((D, D))],
        out_specs=_rows((_BR, D)),
        out_shape=jax.ShapeDtypeStruct((NP, D), jnp.float32),
    )(a0, a1, xs1, dinv, b1, w2)


def _tc3(a0, a1, xs2, dinv, b2):
    return pl.pallas_call(
        _tc3_body,
        grid=(NP // _BR,),
        in_specs=[_rows((_BR, D)), _rows((_BR, D)), _rows((_BR, D)),
                  _rows((_BR, D)), _whole((1, D))],
        out_specs=_rows((_BR, D)),
        out_shape=jax.ShapeDtypeStruct((NP, D), jnp.float32),
    )(a0, a1, xs2, dinv, b2)


def kernel(y, edge_index, embed_table, W_node_w, W_node_b, W1, b1, W2, b2):
    src = edge_index[0]
    dst = edge_index[1]
    epad = NW * EPT - E
    srcb = jnp.concatenate(
        [src, jnp.zeros((epad,), jnp.int32)]).reshape(NW, EC, CL)
    dstb = jnp.concatenate(
        [dst, jnp.full((epad,), DUMP, jnp.int32)]).reshape(NW, EC, CL)
    yb = jnp.concatenate(
        [y, jnp.zeros((NP - N,), jnp.int32)]).reshape(NW, YC, LG)

    ones_rows = jnp.ones((CL, D), jnp.float32)
    ztile = jnp.zeros((RPC, D), jnp.float32)

    sc_embed_deg, sc_edge_agg = _sc_kernels()
    e_rows, deg_p = sc_embed_deg(embed_table, yb, dstb, ones_rows, ztile)
    xs1, dinv = _tc1(deg_p[0], deg_p[1], e_rows,
                     W_node_w, W_node_b.reshape(1, D), W1)
    acc1 = sc_edge_agg(xs1, srcb, dstb, ztile)
    xs2 = _tc2(acc1[0], acc1[1], xs1, dinv, b1.reshape(1, D), W2)
    acc2 = sc_edge_agg(xs2, srcb, dstb, ztile)
    out = _tc3(acc2[0], acc2[1], xs2, dinv, b2.reshape(1, D))
    return out[:N]

# --- scband reference (transcript-rebuilt; emitter-appended) ---
"""Pipeline reference for scband-gcnencoder-38972533244081 (READ-ONLY COPY).

The authoritative reference and input builder live on the scoring server;
editing this copy changes nothing except your own understanding.
"""

import jax, jax.numpy as jnp
import numpy as np

N = 10000
E = 320000
D = 128


def gcn_conv(x, src, dst, W, b):
    # GCNConv: out = D^{-1/2} (A + I) D^{-1/2} X W + b
    n = x.shape[0]
    xw = x @ W
    loop = jnp.arange(n, dtype=src.dtype)
    s = jnp.concatenate([src, loop])
    d = jnp.concatenate([dst, loop])
    deg = jnp.zeros((n,), dtype=x.dtype).at[d].add(1.0)
    dinv = jax.lax.rsqrt(deg)
    norm = dinv[s] * dinv[d]
    msg = norm[:, None] * jnp.take(xw, s, axis=0)
    out = jnp.zeros_like(xw).at[d].add(msg)
    return out + b


def setup_inputs(seed: int = 0) -> dict:
    key = jax.random.key(seed)
    ks = jax.random.split(key, 9)
    y = jax.random.randint(ks[0], (N,), 0, N, dtype=jnp.int64 if jax.config.jax_enable_x64 else jnp.int32).astype(jnp.int32)
    edge_index = jax.random.randint(ks[1], (2, E), 0, N).astype(jnp.int32)
    embed_table = jax.random.normal(ks[2], (N, D), dtype=jnp.float32) * 0.02
    W_node_w = jax.random.normal(ks[3], (D, D), dtype=jnp.float32) * (1.0 / np.sqrt(D))
    W_node_b = jax.random.normal(ks[4], (D,), dtype=jnp.float32) * 0.01
    W1 = jax.random.normal(ks[5], (D, D), dtype=jnp.float32) * (1.0 / np.sqrt(D))
    b1 = jax.random.normal(ks[6], (D,), dtype=jnp.float32) * 0.01
    W2 = jax.random.normal(ks[7], (D, D), dtype=jnp.float32) * (1.0 / np.sqrt(D))
    b2 = jax.random.normal(ks[8], (D,), dtype=jnp.float32) * 0.01
    return {"y": y, "edge_index": edge_index, "embed_table": embed_table,
            "W_node_w": W_node_w, "W_node_b": W_node_b,
            "W1": W1, "b1": b1, "W2": W2, "b2": b2}


def reference(y, edge_index, embed_table, W_node_w, W_node_b, W1, b1, W2, b2):
    # compute_node_features: embed lookup + W_node linear
    e = jnp.take(embed_table, y, axis=0)
    x = e @ W_node_w + W_node_b
    src = edge_index[0]
    dst = edge_index[1]
    # conv1 + relu
    x = gcn_conv(x, src, dst, W1, b1)
    x = jax.nn.relu(x)
    # conv2 (no relu after last layer)
    x = gcn_conv(x, src, dst, W2, b2)
    return x

if __name__ == "__main__":
    import jax
    _d = setup_inputs()
    print(jax.jit(kernel)(*tuple(_d.values())))

</pallas_src>

<mosaic_0001>
#map = affine_map<(d0, d1) -> (0, 0)>
#map1 = affine_map<(d0, d1) -> (0, 0, 0)>
module attributes {stable_mosaic.version = 14 : i64} {
  func.func @_sc_edge_agg(%arg0: i32, %arg1: i32, %arg2: memref<10240x128xf32, #tpu.memory_space<hbm>>, %arg3: memref<32x80x128xi32, #tpu.memory_space<hbm>>, %arg4: memref<32x80x128xi32, #tpu.memory_space<hbm>>, %arg5: memref<640x128xf32, #tpu.memory_space<hbm>>, %arg6: memref<2x10240x128xf32, #tpu.memory_space<hbm>>, %arg7: memref<40x128xi32, #tpu.memory_space<vmem>>, %arg8: memref<40x128xi32, #tpu.memory_space<vmem>>, %arg9: memref<128x128xf32, #tpu.memory_space<vmem>>, %arg10: memref<128x128xf32, #tpu.memory_space<vmem>>, %arg11: memref<10240x128xf32, #tpu.memory_space<vmem_shared>>, %arg12: memref<!tpu.dma_semaphore, #tpu.memory_space<semaphore_mem>>, %arg13: memref<!tpu.dma_semaphore, #tpu.memory_space<semaphore_mem>>) attributes {dimension_semantics = [#tpu.dimension_semantics<core_parallel>, #tpu.dimension_semantics<subcore_parallel>], iteration_bounds = array<i64: 2, 16>, scalar_prefetch = 0 : i64, scratch_operands = 7 : i64, tpu.core_type = #tpu.core_type<sc_vector_subcore>, window_params = [{transform_indices = #map}, {transform_indices = #map1}, {transform_indices = #map1}, {transform_indices = #map}, {transform_indices = #map1}]} {
    %mul3A = arith.constant 16 : i32
    %mul3A_0 = arith.muli %arg0, %mul3A : i32
    %add3A = arith.addi %mul3A_0, %arg1 : i32
    %mul3A_1 = arith.constant 640 : i32
    %mul3A_2 = arith.muli %arg1, %mul3A_1 : i32
    "tpu.region"() ({
      %run_scoped3A_78 = tpu.sem_alloc : memref<!tpu.dma_semaphore, #tpu.memory_space<semaphore_mem>>
      %dma_start3A_79 = arith.constant 0 : i32
      %dma_start3A_80 = tpu.memref_slice %arg11[%mul3A_2, %dma_start3A_79] : memref<10240x128xf32, #tpu.memory_space<vmem_shared>> -> memref<640x128xf32, #tpu.memory_space<vmem_shared>>
      tpu.enqueue_dma source(%arg5 : memref<640x128xf32, #tpu.memory_space<hbm>>) target(%dma_start3A_80 : memref<640x128xf32, #tpu.memory_space<vmem_shared>>) target_semaphore(%run_scoped3A_78 : memref<!tpu.dma_semaphore, #tpu.memory_space<semaphore_mem>>)
      %dma_wait3A_81 = arith.constant 0 : i32
      %dma_wait3A_82 = tpu.memref_slice %arg11[%mul3A_2, %dma_wait3A_81] : memref<10240x128xf32, #tpu.memory_space<vmem_shared>> -> memref<640x128xf32, #tpu.memory_space<vmem_shared>>
      tpu.wait_dma2 semaphore(%run_scoped3A_78 : memref<!tpu.dma_semaphore, #tpu.memory_space<semaphore_mem>>) src(%arg5 : memref<640x128xf32, #tpu.memory_space<hbm>>) dst(%dma_wait3A_82 : memref<640x128xf32, #tpu.memory_space<vmem_shared>>)
      tpu.yield
    }) : () -> ()
    %barrier3A = arith.constant 0 : index
    tpu.barrier barrier_id(%barrier3A)
    "tpu.region"() ({
      %run_scoped3A_78 = tpu.sem_alloc : memref<!tpu.dma_semaphore, #tpu.memory_space<semaphore_mem>>
      %dma_start3A_79 = arith.constant 0 : i32
      %dma_start3A_80 = arith.constant 0 : i32
      %dma_start3A_81 = tpu.memref_slice %arg3[%add3A, %dma_start3A_79, %dma_start3A_80] : memref<32x80x128xi32, #tpu.memory_space<hbm>> -> memref<1x40x128xi32, #tpu.memory_space<hbm>>
      %dma_start3A_82 = tpu.memref_squeeze %dma_start3A_81 : memref<1x40x128xi32, #tpu.memory_space<hbm>> -> memref<40x128xi32, #tpu.memory_space<hbm>>
      %dma_start3A_83 = arith.constant 0 : i32
      %dma_start3A_84 = arith.constant 0 : i32
      %dma_start3A_85 = tpu.memref_slice %arg3[%add3A, %dma_start3A_83, %dma_start3A_84] : memref<32x80x128xi32, #tpu.memory_space<hbm>> -> memref<1x40x128xi32, #tpu.memory_space<hbm>>
      %dma_start3A_86 = tpu.memref_squeeze %dma_start3A_85 : memref<1x40x128xi32, #tpu.memory_space<hbm>> -> memref<40x128xi32, #tpu.memory_space<hbm>>
      tpu.enqueue_dma source(%dma_start3A_86 : memref<40x128xi32, #tpu.memory_space<hbm>>) target(%arg7 : memref<40x128xi32, #tpu.memory_space<vmem>>) target_semaphore(%run_scoped3A_78 : memref<!tpu.dma_semaphore, #tpu.memory_space<semaphore_mem>>)
      %dma_wait3A_87 = arith.constant 0 : i32
      %dma_wait3A_88 = arith.constant 0 : i32
      %dma_wait3A_89 = tpu.memref_slice %arg3[%add3A, %dma_wait3A_87, %dma_wait3A_88] : memref<32x80x128xi32, #tpu.memory_space<hbm>> -> memref<1x40x128xi32, #tpu.memory_space<hbm>>
      %dma_wait3A_90 = tpu.memref_squeeze %dma_wait3A_89 : memref<1x40x128xi32, #tpu.memory_space<hbm>> -> memref<40x128xi32, #tpu.memory_space<hbm>>
      %dma_wait3A_91 = arith.constant 0 : i32
      %dma_wait3A_92 = arith.constant 0 : i32
      %dma_wait3A_93 = tpu.memref_slice %arg3[%add3A, %dma_wait3A_91, %dma_wait3A_92] : memref<32x80x128xi32, #tpu.memory_space<hbm>> -> memref<1x40x128xi32, #tpu.memory_space<hbm>>
      %dma_wait3A_94 = tpu.memref_squeeze %dma_wait3A_93 : memref<1x40x128xi32, #tpu.memory_space<hbm>> -> memref<40x128xi32, #tpu.memory_space<hbm>>
      tpu.wait_dma2 semaphore(%run_scoped3A_78 : memref<!tpu.dma_semaphore, #tpu.memory_space<semaphore_mem>>) src(%dma_wait3A_94 : memref<40x128xi32, #tpu.memory_space<hbm>>) dst(%arg7 : memref<40x128xi32, #tpu.memory_space<vmem>>)
      tpu.yield
    }) : () -> ()
    "tpu.region"() ({
      %run_scoped3A_78 = tpu.sem_alloc : memref<!tpu.dma_semaphore, #tpu.memory_space<semaphore_mem>>
      %dma_start3A_79 = arith.constant 0 : i32
      %dma_start3A_80 = arith.constant 0 : i32
      %dma_start3A_81 = tpu.memref_slice %arg4[%add3A, %dma_start3A_79, %dma_start3A_80] : memref<32x80x128xi32, #tpu.memory_space<hbm>> -> memref<1x40x128xi32, #tpu.memory_space<hbm>>
      %dma_start3A_82 = tpu.memref_squeeze %dma_start3A_81 : memref<1x40x128xi32, #tpu.memory_space<hbm>> -> memref<40x128xi32, #tpu.memory_space<hbm>>
      %dma_start3A_83 = arith.constant 0 : i32
      %dma_start3A_84 = arith.constant 0 : i32
      %dma_start3A_85 = tpu.memref_slice %arg4[%add3A, %dma_start3A_83, %dma_start3A_84] : memref<32x80x128xi32, #tpu.memory_space<hbm>> -> memref<1x40x128xi32, #tpu.memory_space<hbm>>
      %dma_start3A_86 = tpu.memref_squeeze %dma_start3A_85 : memref<1x40x128xi32, #tpu.memory_space<hbm>> -> memref<40x128xi32, #tpu.memory_space<hbm>>
      tpu.enqueue_dma source(%dma_start3A_86 : memref<40x128xi32, #tpu.memory_space<hbm>>) target(%arg8 : memref<40x128xi32, #tpu.memory_space<vmem>>) target_semaphore(%run_scoped3A_78 : memref<!tpu.dma_semaphore, #tpu.memory_space<semaphore_mem>>)
      %dma_wait3A_87 = arith.constant 0 : i32
      %dma_wait3A_88 = arith.constant 0 : i32
      %dma_wait3A_89 = tpu.memref_slice %arg4[%add3A, %dma_wait3A_87, %dma_wait3A_88] : memref<32x80x128xi32, #tpu.memory_space<hbm>> -> memref<1x40x128xi32, #tpu.memory_space<hbm>>
      %dma_wait3A_90 = tpu.memref_squeeze %dma_wait3A_89 : memref<1x40x128xi32, #tpu.memory_space<hbm>> -> memref<40x128xi32, #tpu.memory_space<hbm>>
      %dma_wait3A_91 = arith.constant 0 : i32
      %dma_wait3A_92 = arith.constant 0 : i32
      %dma_wait3A_93 = tpu.memref_slice %arg4[%add3A, %dma_wait3A_91, %dma_wait3A_92] : memref<32x80x128xi32, #tpu.memory_space<hbm>> -> memref<1x40x128xi32, #tpu.memory_space<hbm>>
      %dma_wait3A_94 = tpu.memref_squeeze %dma_wait3A_93 : memref<1x40x128xi32, #tpu.memory_space<hbm>> -> memref<40x128xi32, #tpu.memory_space<hbm>>
      tpu.wait_dma2 semaphore(%run_scoped3A_78 : memref<!tpu.dma_semaphore, #tpu.memory_space<semaphore_mem>>) src(%dma_wait3A_94 : memref<40x128xi32, #tpu.memory_space<hbm>>) dst(%arg8 : memref<40x128xi32, #tpu.memory_space<vmem>>)
      tpu.yield
    }) : () -> ()
    %dma_start3A = arith.constant 0 : i32
    %dma_start3A_3 = arith.constant 0 : i32
    %dma_start3A_4 = tpu.memref_slice %arg7[%dma_start3A, %dma_start3A_3] : memref<40x128xi32, #tpu.memory_space<vmem>> -> memref<1x128xi32, #tpu.memory_space<vmem>>
    %dma_start3A_5 = tpu.memref_squeeze %dma_start3A_4 : memref<1x128xi32, #tpu.memory_space<vmem>> -> memref<128xi32, #tpu.memory_space<vmem>>
    %dma_start3A_6 = arith.constant 0 : i32
    %dma_start3A_7 = arith.constant 0 : i32
    %dma_start3A_8 = tpu.memref_slice %arg2[%dma_start3A_6, %dma_start3A_7] : memref<10240x128xf32, #tpu.memory_space<hbm>> -> memref<10240x128xf32, #tpu.memory_space<hbm>>
    tpu.enqueue_indirect_dma source(%dma_start3A_8 : memref<10240x128xf32, #tpu.memory_space<hbm>>) target(%arg9 : memref<128x128xf32, #tpu.memory_space<vmem>>) offsets(%dma_start3A_5 : memref<128xi32, #tpu.memory_space<vmem>>) semaphore(%arg12 : memref<!tpu.dma_semaphore, #tpu.memory_space<semaphore_mem>>)
    %dma_start3A_9 = arith.constant 1 : i32
    %dma_start3A_10 = arith.constant 0 : i32
    %dma_start3A_11 = tpu.memref_slice %arg7[%dma_start3A_9, %dma_start3A_10] : memref<40x128xi32, #tpu.memory_space<vmem>> -> memref<1x128xi32, #tpu.memory_space<vmem>>
    %dma_start3A_12 = tpu.memref_squeeze %dma_start3A_11 : memref<1x128xi32, #tpu.memory_space<vmem>> -> memref<128xi32, #tpu.memory_space<vmem>>
    %dma_start3A_13 = arith.constant 0 : i32
    %dma_start3A_14 = arith.constant 0 : i32
    %dma_start3A_15 = tpu.memref_slice %arg2[%dma_start3A_13, %dma_start3A_14] : memref<10240x128xf32, #tpu.memory_space<hbm>> -> memref<10240x128xf32, #tpu.memory_space<hbm>>
    tpu.enqueue_indirect_dma source(%dma_start3A_15 : memref<10240x128xf32, #tpu.memory_space<hbm>>) target(%arg10 : memref<128x128xf32, #tpu.memory_space<vmem>>) offsets(%dma_start3A_12 : memref<128xi32, #tpu.memory_space<vmem>>) semaphore(%arg13 : memref<!tpu.dma_semaphore, #tpu.memory_space<semaphore_mem>>)
    %scan3A = arith.constant 0 : i32
    %scan3A_16 = arith.constant 0 : i32
    %scan3A_17 = arith.constant 19 : i32
    %scan3A_18 = arith.addi %scan3A_16, %scan3A_17 : i32
    %scan3A_19 = arith.constant 1 : i32
    %scan3A_20 = scf.for %scan3A_78 = %scan3A_16 to %scan3A_18 step %scan3A_19 iter_args(%scan3A_79 = %scan3A) -> (i32)  : i32 {
      %mul3A_80 = arith.constant 2 : i32
      %mul3A_81 = arith.muli %mul3A_80, %scan3A_78 : i32
      %dma_wait3A_82 = arith.constant 0 : i32
      %dma_wait3A_83 = tpu.memref_slice %arg7[%mul3A_81, %dma_wait3A_82] : memref<40x128xi32, #tpu.memory_space<vmem>> -> memref<1x128xi32, #tpu.memory_space<vmem>>
      %dma_wait3A_84 = tpu.memref_squeeze %dma_wait3A_83 : memref<1x128xi32, #tpu.memory_space<vmem>> -> memref<128xi32, #tpu.memory_space<vmem>>
      %dma_wait3A_85 = arith.constant 0 : i32
      %dma_wait3A_86 = arith.constant 0 : i32
      %dma_wait3A_87 = tpu.memref_slice %arg2[%dma_wait3A_85, %dma_wait3A_86] : memref<10240x128xf32, #tpu.memory_space<hbm>> -> memref<10240x128xf32, #tpu.memory_space<hbm>>
      tpu.wait_indirect_dma semaphore(%arg12 : memref<!tpu.dma_semaphore, #tpu.memory_space<semaphore_mem>>) src(%dma_wait3A_87 : memref<10240x128xf32, #tpu.memory_space<hbm>>) dst(%arg9 : memref<128x128xf32, #tpu.memory_space<vmem>>)
      "tpu.region"() ({
        %run_scoped3A_115 = tpu.sem_alloc : memref<!tpu.dma_semaphore, #tpu.memory_space<semaphore_mem>>
        %dma_start3A_116 = arith.constant 0 : i32
        %dma_start3A_117 = tpu.memref_slice %arg8[%mul3A_81, %dma_start3A_116] : memref<40x128xi32, #tpu.memory_space<vmem>> -> memref<1x128xi32, #tpu.memory_space<vmem>>
        %dma_start3A_118 = tpu.memref_squeeze %dma_start3A_117 : memref<1x128xi32, #tpu.memory_space<vmem>> -> memref<128xi32, #tpu.memory_space<vmem>>
        %dma_start3A_119 = arith.constant 0 : i32
        %dma_start3A_120 = arith.constant 0 : i32
        %dma_start3A_121 = tpu.memref_slice %arg11[%dma_start3A_119, %dma_start3A_120] : memref<10240x128xf32, #tpu.memory_space<vmem_shared>> -> memref<10240x128xf32, #tpu.memory_space<vmem_shared>>
        tpu.enqueue_indirect_dma source(%arg9 : memref<128x128xf32, #tpu.memory_space<vmem>>) target(%dma_start3A_121 : memref<10240x128xf32, #tpu.memory_space<vmem_shared>>) offsets(%dma_start3A_118 : memref<128xi32, #tpu.memory_space<vmem>>) semaphore(%run_scoped3A_115 : memref<!tpu.dma_semaphore, #tpu.memory_space<semaphore_mem>>) {add = true}
        %dma_wait3A_122 = arith.constant 0 : i32
        %dma_wait3A_123 = tpu.memref_slice %arg8[%mul3A_81, %dma_wait3A_122] : memref<40x128xi32, #tpu.memory_space<vmem>> -> memref<1x128xi32, #tpu.memory_space<vmem>>
        %dma_wait3A_124 = tpu.memref_squeeze %dma_wait3A_123 : memref<1x128xi32, #tpu.memory_space<vmem>> -> memref<128xi32, #tpu.memory_space<vmem>>
        %dma_wait3A_125 = arith.constant 0 : i32
        %dma_wait3A_126 = arith.constant 0 : i32
        %dma_wait3A_127 = tpu.memref_slice %arg11[%dma_wait3A_125, %dma_wait3A_126] : memref<10240x128xf32, #tpu.memory_space<vmem_shared>> -> memref<10240x128xf32, #tpu.memory_space<vmem_shared>>
        tpu.wait_indirect_dma semaphore(%run_scoped3A_115 : memref<!tpu.dma_semaphore, #tpu.memory_space<semaphore_mem>>) src(%arg9 : memref<128x128xf32, #tpu.memory_space<vmem>>) dst(%dma_wait3A_127 : memref<10240x128xf32, #tpu.memory_space<vmem_shared>>)
        tpu.yield
      }) : () -> ()
      %add3A_88 = arith.constant 2 : i32
      %add3A_89 = arith.addi %mul3A_81, %add3A_88 : i32
      %dma_start3A_90 = arith.constant 0 : i32
      %dma_start3A_91 = tpu.memref_slice %arg7[%add3A_89, %dma_start3A_90] : memref<40x128xi32, #tpu.memory_space<vmem>> -> memref<1x128xi32, #tpu.memory_space<vmem>>
      %dma_start3A_92 = tpu.memref_squeeze %dma_start3A_91 : memref<1x128xi32, #tpu.memory_space<vmem>> -> memref<128xi32, #tpu.memory_space<vmem>>
      %dma_start3A_93 = arith.constant 0 : i32
      %dma_start3A_94 = arith.constant 0 : i32
      %dma_start3A_95 = tpu.memref_slice %arg2[%dma_start3A_93, %dma_start3A_94] : memref<10240x128xf32, #tpu.memory_space<hbm>> -> memref<10240x128xf32, #tpu.memory_space<hbm>>
      tpu.enqueue_indirect_dma source(%dma_start3A_95 : memref<10240x128xf32, #tpu.memory_space<hbm>>) target(%arg9 : memref<128x128xf32, #tpu.memory_space<vmem>>) offsets(%dma_start3A_92 : memref<128xi32, #tpu.memory_space<vmem>>) semaphore(%arg12 : memref<!tpu.dma_semaphore, #tpu.memory_space<semaphore_mem>>)
      %add3A_96 = arith.constant 1 : i32
      %add3A_97 = arith.addi %mul3A_81, %add3A_96 : i32
      %dma_wait3A_98 = arith.constant 0 : i32
      %dma_wait3A_99 = tpu.memref_slice %arg7[%add3A_97, %dma_wait3A_98] : memref<40x128xi32, #tpu.memory_space<vmem>> -> memref<1x128xi32, #tpu.memory_space<vmem>>
      %dma_wait3A_100 = tpu.memref_squeeze %dma_wait3A_99 : memref<1x128xi32, #tpu.memory_space<vmem>> -> memref<128xi32, #tpu.memory_space<vmem>>
      %dma_wait3A_101 = arith.constant 0 : i32
      %dma_wait3A_102 = arith.constant 0 : i32
      %dma_wait3A_103 = tpu.memref_slice %arg2[%dma_wait3A_101, %dma_wait3A_102] : memref<10240x128xf32, #tpu.memory_space<hbm>> -> memref<10240x128xf32, #tpu.memory_space<hbm>>
      tpu.wait_indirect_dma semaphore(%arg13 : memref<!tpu.dma_semaphore, #tpu.memory_space<semaphore_mem>>) src(%dma_wait3A_103 : memref<10240x128xf32, #tpu.memory_space<hbm>>) dst(%arg10 : memref<128x128xf32, #tpu.memory_space<vmem>>)
      %add3A_104 = arith.constant 1 : i32
      %add3A_105 = arith.addi %mul3A_81, %add3A_104 : i32
      "tpu.region"() ({
        %run_scoped3A_115 = tpu.sem_alloc : memref<!tpu.dma_semaphore, #tpu.memory_space<semaphore_mem>>
        %dma_start3A_116 = arith.constant 0 : i32
        %dma_start3A_117 = tpu.memref_slice %arg8[%add3A_105, %dma_start3A_116] : memref<40x128xi32, #tpu.memory_space<vmem>> -> memref<1x128xi32, #tpu.memory_space<vmem>>
        %dma_start3A_118 = tpu.memref_squeeze %dma_start3A_117 : memref<1x128xi32, #tpu.memory_space<vmem>> -> memref<128xi32, #tpu.memory_space<vmem>>
        %dma_start3A_119 = arith.constant 0 : i32
        %dma_start3A_120 = arith.constant 0 : i32
        %dma_start3A_121 = tpu.memref_slice %arg11[%dma_start3A_119, %dma_start3A_120] : memref<10240x128xf32, #tpu.memory_space<vmem_shared>> -> memref<10240x128xf32, #tpu.memory_space<vmem_shared>>
        tpu.enqueue_indirect_dma source(%arg10 : memref<128x128xf32, #tpu.memory_space<vmem>>) target(%dma_start3A_121 : memref<10240x128xf32, #tpu.memory_space<vmem_shared>>) offsets(%dma_start3A_118 : memref<128xi32, #tpu.memory_space<vmem>>) semaphore(%run_scoped3A_115 : memref<!tpu.dma_semaphore, #tpu.memory_space<semaphore_mem>>) {add = true}
        %dma_wait3A_122 = arith.constant 0 : i32
        %dma_wait3A_123 = tpu.memref_slice %arg8[%add3A_105, %dma_wait3A_122] : memref<40x128xi32, #tpu.memory_space<vmem>> -> memref<1x128xi32, #tpu.memory_space<vmem>>
        %dma_wait3A_124 = tpu.memref_squeeze %dma_wait3A_123 : memref<1x128xi32, #tpu.memory_space<vmem>> -> memref<128xi32, #tpu.memory_space<vmem>>
        %dma_wait3A_125 = arith.constant 0 : i32
        %dma_wait3A_126 = arith.constant 0 : i32
        %dma_wait3A_127 = tpu.memref_slice %arg11[%dma_wait3A_125, %dma_wait3A_126] : memref<10240x128xf32, #tpu.memory_space<vmem_shared>> -> memref<10240x128xf32, #tpu.memory_space<vmem_shared>>
        tpu.wait_indirect_dma semaphore(%run_scoped3A_115 : memref<!tpu.dma_semaphore, #tpu.memory_space<semaphore_mem>>) src(%arg10 : memref<128x128xf32, #tpu.memory_space<vmem>>) dst(%dma_wait3A_127 : memref<10240x128xf32, #tpu.memory_space<vmem_shared>>)
        tpu.yield
      }) : () -> ()
      %add3A_106 = arith.constant 3 : i32
      %add3A_107 = arith.addi %mul3A_81, %add3A_106 : i32
      %dma_start3A_108 = arith.constant 0 : i32
      %dma_start3A_109 = tpu.memref_slice %arg7[%add3A_107, %dma_start3A_108] : memref<40x128xi32, #tpu.memory_space<vmem>> -> memref<1x128xi32, #tpu.memory_space<vmem>>
      %dma_start3A_110 = tpu.memref_squeeze %dma_start3A_109 : memref<1x128xi32, #tpu.memory_space<vmem>> -> memref<128xi32, #tpu.memory_space<vmem>>
      %dma_start3A_111 = arith.constant 0 : i32
      %dma_start3A_112 = arith.constant 0 : i32
      %dma_start3A_113 = tpu.memref_slice %arg2[%dma_start3A_111, %dma_start3A_112] : memref<10240x128xf32, #tpu.memory_space<hbm>> -> memref<10240x128xf32, #tpu.memory_space<hbm>>
      tpu.enqueue_indirect_dma source(%dma_start3A_113 : memref<10240x128xf32, #tpu.memory_space<hbm>>) target(%arg10 : memref<128x128xf32, #tpu.memory_space<vmem>>) offsets(%dma_start3A_110 : memref<128xi32, #tpu.memory_space<vmem>>) semaphore(%arg13 : memref<!tpu.dma_semaphore, #tpu.memory_space<semaphore_mem>>)
      %scan3A_114 = arith.constant 0 : i32
      scf.yield %scan3A_114 : i32
    }
    %scan3A_21 = arith.constant 19 : i32
    %dma_wait3A = arith.constant 38 : i32
    %dma_wait3A_22 = arith.constant 0 : i32
    %dma_wait3A_23 = tpu.memref_slice %arg7[%dma_wait3A, %dma_wait3A_22] : memref<40x128xi32, #tpu.memory_space<vmem>> -> memref<1x128xi32, #tpu.memory_space<vmem>>
    %dma_wait3A_24 = tpu.memref_squeeze %dma_wait3A_23 : memref<1x128xi32, #tpu.memory_space<vmem>> -> memref<128xi32, #tpu.memory_space<vmem>>
    %dma_wait3A_25 = arith.constant 0 : i32
    %dma_wait3A_26 = arith.constant 0 : i32
    %dma_wait3A_27 = tpu.memref_slice %arg2[%dma_wait3A_25, %dma_wait3A_26] : memref<10240x128xf32, #tpu.memory_space<hbm>> -> memref<10240x128xf32, #tpu.memory_space<hbm>>
    tpu.wait_indirect_dma semaphore(%arg12 : memref<!tpu.dma_semaphore, #tpu.memory_space<semaphore_mem>>) src(%dma_wait3A_27 : memref<10240x128xf32, #tpu.memory_space<hbm>>) dst(%arg9 : memref<128x128xf32, #tpu.memory_space<vmem>>)
    %run_scoped3A = arith.constant 38 : i32
    "tpu.region"() ({
      %run_scoped3A_78 = tpu.sem_alloc : memref<!tpu.dma_semaphore, #tpu.memory_space<semaphore_mem>>
      %dma_start3A_79 = arith.constant 0 : i32
      %dma_start3A_80 = tpu.memref_slice %arg8[%run_scoped3A, %dma_start3A_79] : memref<40x128xi32, #tpu.memory_space<vmem>> -> memref<1x128xi32, #tpu.memory_space<vmem>>
      %dma_start3A_81 = tpu.memref_squeeze %dma_start3A_80 : memref<1x128xi32, #tpu.memory_space<vmem>> -> memref<128xi32, #tpu.memory_space<vmem>>
      %dma_start3A_82 = arith.constant 0 : i32
      %dma_start3A_83 = arith.constant 0 : i32
      %dma_start3A_84 = tpu.memref_slice %arg11[%dma_start3A_82, %dma_start3A_83] : memref<10240x128xf32, #tpu.memory_space<vmem_shared>> -> memref<10240x128xf32, #tpu.memory_space<vmem_shared>>
      tpu.enqueue_indirect_dma source(%arg9 : memref<128x128xf32, #tpu.memory_space<vmem>>) target(%dma_start3A_84 : memref<10240x128xf32, #tpu.memory_space<vmem_shared>>) offsets(%dma_start3A_81 : memref<128xi32, #tpu.memory_space<vmem>>) semaphore(%run_scoped3A_78 : memref<!tpu.dma_semaphore, #tpu.memory_space<semaphore_mem>>) {add = true}
      %dma_wait3A_85 = arith.constant 0 : i32
      %dma_wait3A_86 = tpu.memref_slice %arg8[%run_scoped3A, %dma_wait3A_85] : memref<40x128xi32, #tpu.memory_space<vmem>> -> memref<1x128xi32, #tpu.memory_space<vmem>>
      %dma_wait3A_87 = tpu.memref_squeeze %dma_wait3A_86 : memref<1x128xi32, #tpu.memory_space<vmem>> -> memref<128xi32, #tpu.memory_space<vmem>>
      %dma_wait3A_88 = arith.constant 0 : i32
      %dma_wait3A_89 = arith.constant 0 : i32
      %dma_wait3A_90 = tpu.memref_slice %arg11[%dma_wait3A_88, %dma_wait3A_89] : memref<10240x128xf32, #tpu.memory_space<vmem_shared>> -> memref<10240x128xf32, #tpu.memory_space<vmem_shared>>
      tpu.wait_indirect_dma semaphore(%run_scoped3A_78 : memref<!tpu.dma_semaphore, #tpu.memory_space<semaphore_mem>>) src(%arg9 : memref<128x128xf32, #tpu.memory_space<vmem>>) dst(%dma_wait3A_90 : memref<10240x128xf32, #tpu.memory_space<vmem_shared>>)
      tpu.yield
    }) : () -> ()
    %dma_wait3A_28 = arith.constant 39 : i32
    %dma_wait3A_29 = arith.constant 0 : i32
    %dma_wait3A_30 = tpu.memref_slice %arg7[%dma_wait3A_28, %dma_wait3A_29] : memref<40x128xi32, #tpu.memory_space<vmem>> -> memref<1x128xi32, #tpu.memory_space<vmem>>
    %dma_wait3A_31 = tpu.memref_squeeze %dma_wait3A_30 : memref<1x128xi32, #tpu.memory_space<vmem>> -> memref<128xi32, #tpu.memory_space<vmem>>
    %dma_wait3A_32 = arith.constant 0 : i32
    %dma_wait3A_33 = arith.constant 0 : i32
    %dma_wait3A_34 = tpu.memref_slice %arg2[%dma_wait3A_32, %dma_wait3A_33] : memref<10240x128xf32, #tpu.memory_space<hbm>> -> memref<10240x128xf32, #tpu.memory_space<hbm>>
    tpu.wait_indirect_dma semaphore(%arg13 : memref<!tpu.dma_semaphore, #tpu.memory_space<semaphore_mem>>) src(%dma_wait3A_34 : memref<10240x128xf32, #tpu.memory_space<hbm>>) dst(%arg10 : memref<128x128xf32, #tpu.memory_space<vmem>>)
    %run_scoped3A_35 = arith.constant 39 : i32
    "tpu.region"() ({
      %run_scoped3A_78 = tpu.sem_alloc : memref<!tpu.dma_semaphore, #tpu.memory_space<semaphore_mem>>
      %dma_start3A_79 = arith.constant 0 : i32
      %dma_start3A_80 = tpu.memref_slice %arg8[%run_scoped3A_35, %dma_start3A_79] : memref<40x128xi32, #tpu.memory_space<vmem>> -> memref<1x128xi32, #tpu.memory_space<vmem>>
      %dma_start3A_81 = tpu.memref_squeeze %dma_start3A_80 : memref<1x128xi32, #tpu.memory_space<vmem>> -> memref<128xi32, #tpu.memory_space<vmem>>
      %dma_start3A_82 = arith.constant 0 : i32
      %dma_start3A_83 = arith.constant 0 : i32
      %dma_start3A_84 = tpu.memref_slice %arg11[%dma_start3A_82, %dma_start3A_83] : memref<10240x128xf32, #tpu.memory_space<vmem_shared>> -> memref<10240x128xf32, #tpu.memory_space<vmem_shared>>
      tpu.enqueue_indirect_dma source(%arg10 : memref<128x128xf32, #tpu.memory_space<vmem>>) target(%dma_start3A_84 : memref<10240x128xf32, #tpu.memory_space<vmem_shared>>) offsets(%dma_start3A_81 : memref<128xi32, #tpu.memory_space<vmem>>) semaphore(%run_scoped3A_78 : memref<!tpu.dma_semaphore, #tpu.memory_space<semaphore_mem>>) {add = true}
      %dma_wait3A_85 = arith.constant 0 : i32
      %dma_wait3A_86 = tpu.memref_slice %arg8[%run_scoped3A_35, %dma_wait3A_85] : memref<40x128xi32, #tpu.memory_space<vmem>> -> memref<1x128xi32, #tpu.memory_space<vmem>>
      %dma_wait3A_87 = tpu.memref_squeeze %dma_wait3A_86 : memref<1x128xi32, #tpu.memory_space<vmem>> -> memref<128xi32, #tpu.memory_space<vmem>>
      %dma_wait3A_88 = arith.constant 0 : i32
      %dma_wait3A_89 = arith.constant 0 : i32
      %dma_wait3A_90 = tpu.memref_slice %arg11[%dma_wait3A_88, %dma_wait3A_89] : memref<10240x128xf32, #tpu.memory_space<vmem_shared>> -> memref<10240x128xf32, #tpu.memory_space<vmem_shared>>
      tpu.wait_indirect_dma semaphore(%run_scoped3A_78 : memref<!tpu.dma_semaphore, #tpu.memory_space<semaphore_mem>>) src(%arg10 : memref<128x128xf32, #tpu.memory_space<vmem>>) dst(%dma_wait3A_90 : memref<10240x128xf32, #tpu.memory_space<vmem_shared>>)
      tpu.yield
    }) : () -> ()
    "tpu.region"() ({
      %run_scoped3A_78 = tpu.sem_alloc : memref<!tpu.dma_semaphore, #tpu.memory_space<semaphore_mem>>
      %dma_start3A_79 = arith.constant 40 : i32
      %dma_start3A_80 = arith.constant 0 : i32
      %dma_start3A_81 = tpu.memref_slice %arg3[%add3A, %dma_start3A_79, %dma_start3A_80] : memref<32x80x128xi32, #tpu.memory_space<hbm>> -> memref<1x40x128xi32, #tpu.memory_space<hbm>>
      %dma_start3A_82 = tpu.memref_squeeze %dma_start3A_81 : memref<1x40x128xi32, #tpu.memory_space<hbm>> -> memref<40x128xi32, #tpu.memory_space<hbm>>
      %dma_start3A_83 = arith.constant 40 : i32
      %dma_start3A_84 = arith.constant 0 : i32
      %dma_start3A_85 = tpu.memref_slice %arg3[%add3A, %dma_start3A_83, %dma_start3A_84] : memref<32x80x128xi32, #tpu.memory_space<hbm>> -> memref<1x40x128xi32, #tpu.memory_space<hbm>>
      %dma_start3A_86 = tpu.memref_squeeze %dma_start3A_85 : memref<1x40x128xi32, #tpu.memory_space<hbm>> -> memref<40x128xi32, #tpu.memory_space<hbm>>
      tpu.enqueue_dma source(%dma_start3A_86 : memref<40x128xi32, #tpu.memory_space<hbm>>) target(%arg7 : memref<40x128xi32, #tpu.memory_space<vmem>>) target_semaphore(%run_scoped3A_78 : memref<!tpu.dma_semaphore, #tpu.memory_space<semaphore_mem>>)
      %dma_wait3A_87 = arith.constant 40 : i32
      %dma_wait3A_88 = arith.constant 0 : i32
      %dma_wait3A_89 = tpu.memref_slice %arg3[%add3A, %dma_wait3A_87, %dma_wait3A_88] : memref<32x80x128xi32, #tpu.memory_space<hbm>> -> memref<1x40x128xi32, #tpu.memory_space<hbm>>
      %dma_wait3A_90 = tpu.memref_squeeze %dma_wait3A_89 : memref<1x40x128xi32, #tpu.memory_space<hbm>> -> memref<40x128xi32, #tpu.memory_space<hbm>>
      %dma_wait3A_91 = arith.constant 40 : i32
      %dma_wait3A_92 = arith.constant 0 : i32
      %dma_wait3A_93 = tpu.memref_slice %arg3[%add3A, %dma_wait3A_91, %dma_wait3A_92] : memref<32x80x128xi32, #tpu.memory_space<hbm>> -> memref<1x40x128xi32, #tpu.memory_space<hbm>>
      %dma_wait3A_94 = tpu.memref_squeeze %dma_wait3A_93 : memref<1x40x128xi32, #tpu.memory_space<hbm>> -> memref<40x128xi32, #tpu.memory_space<hbm>>
      tpu.wait_dma2 semaphore(%run_scoped3A_78 : memref<!tpu.dma_semaphore, #tpu.memory_space<semaphore_mem>>) src(%dma_wait3A_94 : memref<40x128xi32, #tpu.memory_space<hbm>>) dst(%arg7 : memref<40x128xi32, #tpu.memory_space<vmem>>)
      tpu.yield
    }) : () -> ()
    "tpu.region"() ({
      %run_scoped3A_78 = tpu.sem_alloc : memref<!tpu.dma_semaphore, #tpu.memory_space<semaphore_mem>>
      %dma_start3A_79 = arith.constant 40 : i32
      %dma_start3A_80 = arith.constant 0 : i32
      %dma_start3A_81 = tpu.memref_slice %arg4[%add3A, %dma_start3A_79, %dma_start3A_80] : memref<32x80x128xi32, #tpu.memory_space<hbm>> -> memref<1x40x128xi32, #tpu.memory_space<hbm>>
      %dma_start3A_82 = tpu.memref_squeeze %dma_start3A_81 : memref<1x40x128xi32, #tpu.memory_space<hbm>> -> memref<40x128xi32, #tpu.memory_space<hbm>>
      %dma_start3A_83 = arith.constant 40 : i32
      %dma_start3A_84 = arith.constant 0 : i32
      %dma_start3A_85 = tpu.memref_slice %arg4[%add3A, %dma_start3A_83, %dma_start3A_84] : memref<32x80x128xi32, #tpu.memory_space<hbm>> -> memref<1x40x128xi32, #tpu.memory_space<hbm>>
      %dma_start3A_86 = tpu.memref_squeeze %dma_start3A_85 : memref<1x40x128xi32, #tpu.memory_space<hbm>> -> memref<40x128xi32, #tpu.memory_space<hbm>>
      tpu.enqueue_dma source(%dma_start3A_86 : memref<40x128xi32, #tpu.memory_space<hbm>>) target(%arg8 : memref<40x128xi32, #tpu.memory_space<vmem>>) target_semaphore(%run_scoped3A_78 : memref<!tpu.dma_semaphore, #tpu.memory_space<semaphore_mem>>)
      %dma_wait3A_87 = arith.constant 40 : i32
      %dma_wait3A_88 = arith.constant 0 : i32
      %dma_wait3A_89 = tpu.memref_slice %arg4[%add3A, %dma_wait3A_87, %dma_wait3A_88] : memref<32x80x128xi32, #tpu.memory_space<hbm>> -> memref<1x40x128xi32, #tpu.memory_space<hbm>>
      %dma_wait3A_90 = tpu.memref_squeeze %dma_wait3A_89 : memref<1x40x128xi32, #tpu.memory_space<hbm>> -> memref<40x128xi32, #tpu.memory_space<hbm>>
      %dma_wait3A_91 = arith.constant 40 : i32
      %dma_wait3A_92 = arith.constant 0 : i32
      %dma_wait3A_93 = tpu.memref_slice %arg4[%add3A, %dma_wait3A_91, %dma_wait3A_92] : memref<32x80x128xi32, #tpu.memory_space<hbm>> -> memref<1x40x128xi32, #tpu.memory_space<hbm>>
      %dma_wait3A_94 = tpu.memref_squeeze %dma_wait3A_93 : memref<1x40x128xi32, #tpu.memory_space<hbm>> -> memref<40x128xi32, #tpu.memory_space<hbm>>
      tpu.wait_dma2 semaphore(%run_scoped3A_78 : memref<!tpu.dma_semaphore, #tpu.memory_space<semaphore_mem>>) src(%dma_wait3A_94 : memref<40x128xi32, #tpu.memory_space<hbm>>) dst(%arg8 : memref<40x128xi32, #tpu.memory_space<vmem>>)
      tpu.yield
    }) : () -> ()
    %dma_start3A_36 = arith.constant 0 : i32
    %dma_start3A_37 = arith.constant 0 : i32
    %dma_start3A_38 = tpu.memref_slice %arg7[%dma_start3A_36, %dma_start3A_37] : memref<40x128xi32, #tpu.memory_space<vmem>> -> memref<1x128xi32, #tpu.memory_space<vmem>>
    %dma_start3A_39 = tpu.memref_squeeze %dma_start3A_38 : memref<1x128xi32, #tpu.memory_space<vmem>> -> memref<128xi32, #tpu.memory_space<vmem>>
    %dma_start3A_40 = arith.constant 0 : i32
    %dma_start3A_41 = arith.constant 0 : i32
    %dma_start3A_42 = tpu.memref_slice %arg2[%dma_start3A_40, %dma_start3A_41] : memref<10240x128xf32, #tpu.memory_space<hbm>> -> memref<10240x128xf32, #tpu.memory_space<hbm>>
    tpu.enqueue_indirect_dma source(%dma_start3A_42 : memref<10240x128xf32, #tpu.memory_space<hbm>>) target(%arg9 : memref<128x128xf32, #tpu.memory_space<vmem>>) offsets(%dma_start3A_39 : memref<128xi32, #tpu.memory_space<vmem>>) semaphore(%arg12 : memref<!tpu.dma_semaphore, #tpu.memory_space<semaphore_mem>>)
    %dma_start3A_43 = arith.constant 1 : i32
    %dma_start3A_44 = arith.constant 0 : i32
    %dma_start3A_45 = tpu.memref_slice %arg7[%dma_start3A_43, %dma_start3A_44] : memref<40x128xi32, #tpu.memory_space<vmem>> -> memref<1x128xi32, #tpu.memory_space<vmem>>
    %dma_start3A_46 = tpu.memref_squeeze %dma_start3A_45 : memref<1x128xi32, #tpu.memory_space<vmem>> -> memref<128xi32, #tpu.memory_space<vmem>>
    %dma_start3A_47 = arith.constant 0 : i32
    %dma_start3A_48 = arith.constant 0 : i32
    %dma_start3A_49 = tpu.memref_slice %arg2[%dma_start3A_47, %dma_start3A_48] : memref<10240x128xf32, #tpu.memory_space<hbm>> -> memref<10240x128xf32, #tpu.memory_space<hbm>>
    tpu.enqueue_indirect_dma source(%dma_start3A_49 : memref<10240x128xf32, #tpu.memory_space<hbm>>) target(%arg10 : memref<128x128xf32, #tpu.memory_space<vmem>>) offsets(%dma_start3A_46 : memref<128xi32, #tpu.memory_space<vmem>>) semaphore(%arg13 : memref<!tpu.dma_semaphore, #tpu.memory_space<semaphore_mem>>)
    %scan3A_50 = arith.constant 0 : i32
    %scan3A_51 = arith.constant 0 : i32
    %scan3A_52 = arith.constant 19 : i32
    %scan3A_53 = arith.addi %scan3A_51, %scan3A_52 : i32
    %scan3A_54 = arith.constant 1 : i32
    %scan3A_55 = scf.for %scan3A_78 = %scan3A_51 to %scan3A_53 step %scan3A_54 iter_args(%scan3A_79 = %scan3A_50) -> (i32)  : i32 {
      %mul3A_80 = arith.constant 2 : i32
      %mul3A_81 = arith.muli %mul3A_80, %scan3A_78 : i32
      %dma_wait3A_82 = arith.constant 0 : i32
      %dma_wait3A_83 = tpu.memref_slice %arg7[%mul3A_81, %dma_wait3A_82] : memref<40x128xi32, #tpu.memory_space<vmem>> -> memref<1x128xi32, #tpu.memory_space<vmem>>
      %dma_wait3A_84 = tpu.memref_squeeze %dma_wait3A_83 : memref<1x128xi32, #tpu.memory_space<vmem>> -> memref<128xi32, #tpu.memory_space<vmem>>
      %dma_wait3A_85 = arith.constant 0 : i32
      %dma_wait3A_86 = arith.constant 0 : i32
      %dma_wait3A_87 = tpu.memref_slice %arg2[%dma_wait3A_85, %dma_wait3A_86] : memref<10240x128xf32, #tpu.memory_space<hbm>> -> memref<10240x128xf32, #tpu.memory_space<hbm>>
      tpu.wait_indirect_dma semaphore(%arg12 : memref<!tpu.dma_semaphore, #tpu.memory_space<semaphore_mem>>) src(%dma_wait3A_87 : memref<10240x128xf32, #tpu.memory_space<hbm>>) dst(%arg9 : memref<128x128xf32, #tpu.memory_space<vmem>>)
      "tpu.region"() ({
        %run_scoped3A_115 = tpu.sem_alloc : memref<!tpu.dma_semaphore, #tpu.memory_space<semaphore_mem>>
        %dma_start3A_116 = arith.constant 0 : i32
        %dma_start3A_117 = tpu.memref_slice %arg8[%mul3A_81, %dma_start3A_116] : memref<40x128xi32, #tpu.memory_space<vmem>> -> memref<1x128xi32, #tpu.memory_space<vmem>>
        %dma_start3A_118 = tpu.memref_squeeze %dma_start3A_117 : memref<1x128xi32, #tpu.memory_space<vmem>> -> memref<128xi32, #tpu.memory_space<vmem>>
        %dma_start3A_119 = arith.constant 0 : i32
        %dma_start3A_120 = arith.constant 0 : i32
        %dma_start3A_121 = tpu.memref_slice %arg11[%dma_start3A_119, %dma_start3A_120] : memref<10240x128xf32, #tpu.memory_space<vmem_shared>> -> memref<10240x128xf32, #tpu.memory_space<vmem_shared>>
        tpu.enqueue_indirect_dma source(%arg9 : memref<128x128xf32, #tpu.memory_space<vmem>>) target(%dma_start3A_121 : memref<10240x128xf32, #tpu.memory_space<vmem_shared>>) offsets(%dma_start3A_118 : memref<128xi32, #tpu.memory_space<vmem>>) semaphore(%run_scoped3A_115 : memref<!tpu.dma_semaphore, #tpu.memory_space<semaphore_mem>>) {add = true}
        %dma_wait3A_122 = arith.constant 0 : i32
        %dma_wait3A_123 = tpu.memref_slice %arg8[%mul3A_81, %dma_wait3A_122] : memref<40x128xi32, #tpu.memory_space<vmem>> -> memref<1x128xi32, #tpu.memory_space<vmem>>
        %dma_wait3A_124 = tpu.memref_squeeze %dma_wait3A_123 : memref<1x128xi32, #tpu.memory_space<vmem>> -> memref<128xi32, #tpu.memory_space<vmem>>
        %dma_wait3A_125 = arith.constant 0 : i32
        %dma_wait3A_126 = arith.constant 0 : i32
        %dma_wait3A_127 = tpu.memref_slice %arg11[%dma_wait3A_125, %dma_wait3A_126] : memref<10240x128xf32, #tpu.memory_space<vmem_shared>> -> memref<10240x128xf32, #tpu.memory_space<vmem_shared>>
        tpu.wait_indirect_dma semaphore(%run_scoped3A_115 : memref<!tpu.dma_semaphore, #tpu.memory_space<semaphore_mem>>) src(%arg9 : memref<128x128xf32, #tpu.memory_space<vmem>>) dst(%dma_wait3A_127 : memref<10240x128xf32, #tpu.memory_space<vmem_shared>>)
        tpu.yield
      }) : () -> ()
      %add3A_88 = arith.constant 2 : i32
      %add3A_89 = arith.addi %mul3A_81, %add3A_88 : i32
      %dma_start3A_90 = arith.constant 0 : i32
      %dma_start3A_91 = tpu.memref_slice %arg7[%add3A_89, %dma_start3A_90] : memref<40x128xi32, #tpu.memory_space<vmem>> -> memref<1x128xi32, #tpu.memory_space<vmem>>
      %dma_start3A_92 = tpu.memref_squeeze %dma_start3A_91 : memref<1x128xi32, #tpu.memory_space<vmem>> -> memref<128xi32, #tpu.memory_space<vmem>>
      %dma_start3A_93 = arith.constant 0 : i32
      %dma_start3A_94 = arith.constant 0 : i32
      %dma_start3A_95 = tpu.memref_slice %arg2[%dma_start3A_93, %dma_start3A_94] : memref<10240x128xf32, #tpu.memory_space<hbm>> -> memref<10240x128xf32, #tpu.memory_space<hbm>>
      tpu.enqueue_indirect_dma source(%dma_start3A_95 : memref<10240x128xf32, #tpu.memory_space<hbm>>) target(%arg9 : memref<128x128xf32, #tpu.memory_space<vmem>>) offsets(%dma_start3A_92 : memref<128xi32, #tpu.memory_space<vmem>>) semaphore(%arg12 : memref<!tpu.dma_semaphore, #tpu.memory_space<semaphore_mem>>)
      %add3A_96 = arith.constant 1 : i32
      %add3A_97 = arith.addi %mul3A_81, %add3A_96 : i32
      %dma_wait3A_98 = arith.constant 0 : i32
      %dma_wait3A_99 = tpu.memref_slice %arg7[%add3A_97, %dma_wait3A_98] : memref<40x128xi32, #tpu.memory_space<vmem>> -> memref<1x128xi32, #tpu.memory_space<vmem>>
      %dma_wait3A_100 = tpu.memref_squeeze %dma_wait3A_99 : memref<1x128xi32, #tpu.memory_space<vmem>> -> memref<128xi32, #tpu.memory_space<vmem>>
      %dma_wait3A_101 = arith.constant 0 : i32
      %dma_wait3A_102 = arith.constant 0 : i32
      %dma_wait3A_103 = tpu.memref_slice %arg2[%dma_wait3A_101, %dma_wait3A_102] : memref<10240x128xf32, #tpu.memory_space<hbm>> -> memref<10240x128xf32, #tpu.memory_space<hbm>>
      tpu.wait_indirect_dma semaphore(%arg13 : memref<!tpu.dma_semaphore, #tpu.memory_space<semaphore_mem>>) src(%dma_wait3A_103 : memref<10240x128xf32, #tpu.memory_space<hbm>>) dst(%arg10 : memref<128x128xf32, #tpu.memory_space<vmem>>)
      %add3A_104 = arith.constant 1 : i32
      %add3A_105 = arith.addi %mul3A_81, %add3A_104 : i32
      "tpu.region"() ({
        %run_scoped3A_115 = tpu.sem_alloc : memref<!tpu.dma_semaphore, #tpu.memory_space<semaphore_mem>>
        %dma_start3A_116 = arith.constant 0 : i32
        %dma_start3A_117 = tpu.memref_slice %arg8[%add3A_105, %dma_start3A_116] : memref<40x128xi32, #tpu.memory_space<vmem>> -> memref<1x128xi32, #tpu.memory_space<vmem>>
        %dma_start3A_118 = tpu.memref_squeeze %dma_start3A_117 : memref<1x128xi32, #tpu.memory_space<vmem>> -> memref<128xi32, #tpu.memory_space<vmem>>
        %dma_start3A_119 = arith.constant 0 : i32
        %dma_start3A_120 = arith.constant 0 : i32
        %dma_start3A_121 = tpu.memref_slice %arg11[%dma_start3A_119, %dma_start3A_120] : memref<10240x128xf32, #tpu.memory_space<vmem_shared>> -> memref<10240x128xf32, #tpu.memory_space<vmem_shared>>
        tpu.enqueue_indirect_dma source(%arg10 : memref<128x128xf32, #tpu.memory_space<vmem>>) target(%dma_start3A_121 : memref<10240x128xf32, #tpu.memory_space<vmem_shared>>) offsets(%dma_start3A_118 : memref<128xi32, #tpu.memory_space<vmem>>) semaphore(%run_scoped3A_115 : memref<!tpu.dma_semaphore, #tpu.memory_space<semaphore_mem>>) {add = true}
        %dma_wait3A_122 = arith.constant 0 : i32
        %dma_wait3A_123 = tpu.memref_slice %arg8[%add3A_105, %dma_wait3A_122] : memref<40x128xi32, #tpu.memory_space<vmem>> -> memref<1x128xi32, #tpu.memory_space<vmem>>
        %dma_wait3A_124 = tpu.memref_squeeze %dma_wait3A_123 : memref<1x128xi32, #tpu.memory_space<vmem>> -> memref<128xi32, #tpu.memory_space<vmem>>
        %dma_wait3A_125 = arith.constant 0 : i32
        %dma_wait3A_126 = arith.constant 0 : i32
        %dma_wait3A_127 = tpu.memref_slice %arg11[%dma_wait3A_125, %dma_wait3A_126] : memref<10240x128xf32, #tpu.memory_space<vmem_shared>> -> memref<10240x128xf32, #tpu.memory_space<vmem_shared>>
        tpu.wait_indirect_dma semaphore(%run_scoped3A_115 : memref<!tpu.dma_semaphore, #tpu.memory_space<semaphore_mem>>) src(%arg10 : memref<128x128xf32, #tpu.memory_space<vmem>>) dst(%dma_wait3A_127 : memref<10240x128xf32, #tpu.memory_space<vmem_shared>>)
        tpu.yield
      }) : () -> ()
      %add3A_106 = arith.constant 3 : i32
      %add3A_107 = arith.addi %mul3A_81, %add3A_106 : i32
      %dma_start3A_108 = arith.constant 0 : i32
      %dma_start3A_109 = tpu.memref_slice %arg7[%add3A_107, %dma_start3A_108] : memref<40x128xi32, #tpu.memory_space<vmem>> -> memref<1x128xi32, #tpu.memory_space<vmem>>
      %dma_start3A_110 = tpu.memref_squeeze %dma_start3A_109 : memref<1x128xi32, #tpu.memory_space<vmem>> -> memref<128xi32, #tpu.memory_space<vmem>>
      %dma_start3A_111 = arith.constant 0 : i32
      %dma_start3A_112 = arith.constant 0 : i32
      %dma_start3A_113 = tpu.memref_slice %arg2[%dma_start3A_111, %dma_start3A_112] : memref<10240x128xf32, #tpu.memory_space<hbm>> -> memref<10240x128xf32, #tpu.memory_space<hbm>>
      tpu.enqueue_indirect_dma source(%dma_start3A_113 : memref<10240x128xf32, #tpu.memory_space<hbm>>) target(%arg10 : memref<128x128xf32, #tpu.memory_space<vmem>>) offsets(%dma_start3A_110 : memref<128xi32, #tpu.memory_space<vmem>>) semaphore(%arg13 : memref<!tpu.dma_semaphore, #tpu.memory_space<semaphore_mem>>)
      %scan3A_114 = arith.constant 0 : i32
      scf.yield %scan3A_114 : i32
    }
    %scan3A_56 = arith.constant 19 : i32
    %dma_wait3A_57 = arith.constant 38 : i32
    %dma_wait3A_58 = arith.constant 0 : i32
    %dma_wait3A_59 = tpu.memref_slice %arg7[%dma_wait3A_57, %dma_wait3A_58] : memref<40x128xi32, #tpu.memory_space<vmem>> -> memref<1x128xi32, #tpu.memory_space<vmem>>
    %dma_wait3A_60 = tpu.memref_squeeze %dma_wait3A_59 : memref<1x128xi32, #tpu.memory_space<vmem>> -> memref<128xi32, #tpu.memory_space<vmem>>
    %dma_wait3A_61 = arith.constant 0 : i32
    %dma_wait3A_62 = arith.constant 0 : i32
    %dma_wait3A_63 = tpu.memref_slice %arg2[%dma_wait3A_61, %dma_wait3A_62] : memref<10240x128xf32, #tpu.memory_space<hbm>> -> memref<10240x128xf32, #tpu.memory_space<hbm>>
    tpu.wait_indirect_dma semaphore(%arg12 : memref<!tpu.dma_semaphore, #tpu.memory_space<semaphore_mem>>) src(%dma_wait3A_63 : memref<10240x128xf32, #tpu.memory_space<hbm>>) dst(%arg9 : memref<128x128xf32, #tpu.memory_space<vmem>>)
    %run_scoped3A_64 = arith.constant 38 : i32
    "tpu.region"() ({
      %run_scoped3A_78 = tpu.sem_alloc : memref<!tpu.dma_semaphore, #tpu.memory_space<semaphore_mem>>
      %dma_start3A_79 = arith.constant 0 : i32
      %dma_start3A_80 = tpu.memref_slice %arg8[%run_scoped3A_64, %dma_start3A_79] : memref<40x128xi32, #tpu.memory_space<vmem>> -> memref<1x128xi32, #tpu.memory_space<vmem>>
      %dma_start3A_81 = tpu.memref_squeeze %dma_start3A_80 : memref<1x128xi32, #tpu.memory_space<vmem>> -> memref<128xi32, #tpu.memory_space<vmem>>
      %dma_start3A_82 = arith.constant 0 : i32
      %dma_start3A_83 = arith.constant 0 : i32
      %dma_start3A_84 = tpu.memref_slice %arg11[%dma_start3A_82, %dma_start3A_83] : memref<10240x128xf32, #tpu.memory_space<vmem_shared>> -> memref<10240x128xf32, #tpu.memory_space<vmem_shared>>
      tpu.enqueue_indirect_dma source(%arg9 : memref<128x128xf32, #tpu.memory_space<vmem>>) target(%dma_start3A_84 : memref<10240x128xf32, #tpu.memory_space<vmem_shared>>) offsets(%dma_start3A_81 : memref<128xi32, #tpu.memory_space<vmem>>) semaphore(%run_scoped3A_78 : memref<!tpu.dma_semaphore, #tpu.memory_space<semaphore_mem>>) {add = true}
      %dma_wait3A_85 = arith.constant 0 : i32
      %dma_wait3A_86 = tpu.memref_slice %arg8[%run_scoped3A_64, %dma_wait3A_85] : memref<40x128xi32, #tpu.memory_space<vmem>> -> memref<1x128xi32, #tpu.memory_space<vmem>>
      %dma_wait3A_87 = tpu.memref_squeeze %dma_wait3A_86 : memref<1x128xi32, #tpu.memory_space<vmem>> -> memref<128xi32, #tpu.memory_space<vmem>>
      %dma_wait3A_88 = arith.constant 0 : i32
      %dma_wait3A_89 = arith.constant 0 : i32
      %dma_wait3A_90 = tpu.memref_slice %arg11[%dma_wait3A_88, %dma_wait3A_89] : memref<10240x128xf32, #tpu.memory_space<vmem_shared>> -> memref<10240x128xf32, #tpu.memory_space<vmem_shared>>
      tpu.wait_indirect_dma semaphore(%run_scoped3A_78 : memref<!tpu.dma_semaphore, #tpu.memory_space<semaphore_mem>>) src(%arg9 : memref<128x128xf32, #tpu.memory_space<vmem>>) dst(%dma_wait3A_90 : memref<10240x128xf32, #tpu.memory_space<vmem_shared>>)
      tpu.yield
    }) : () -> ()
    %dma_wait3A_65 = arith.constant 39 : i32
    %dma_wait3A_66 = arith.constant 0 : i32
    %dma_wait3A_67 = tpu.memref_slice %arg7[%dma_wait3A_65, %dma_wait3A_66] : memref<40x128xi32, #tpu.memory_space<vmem>> -> memref<1x128xi32, #tpu.memory_space<vmem>>
    %dma_wait3A_68 = tpu.memref_squeeze %dma_wait3A_67 : memref<1x128xi32, #tpu.memory_space<vmem>> -> memref<128xi32, #tpu.memory_space<vmem>>
    %dma_wait3A_69 = arith.constant 0 : i32
    %dma_wait3A_70 = arith.constant 0 : i32
    %dma_wait3A_71 = tpu.memref_slice %arg2[%dma_wait3A_69, %dma_wait3A_70] : memref<10240x128xf32, #tpu.memory_space<hbm>> -> memref<10240x128xf32, #tpu.memory_space<hbm>>
    tpu.wait_indirect_dma semaphore(%arg13 : memref<!tpu.dma_semaphore, #tpu.memory_space<semaphore_mem>>) src(%dma_wait3A_71 : memref<10240x128xf32, #tpu.memory_space<hbm>>) dst(%arg10 : memref<128x128xf32, #tpu.memory_space<vmem>>)
    %run_scoped3A_72 = arith.constant 39 : i32
    "tpu.region"() ({
      %run_scoped3A_78 = tpu.sem_alloc : memref<!tpu.dma_semaphore, #tpu.memory_space<semaphore_mem>>
      %dma_start3A_79 = arith.constant 0 : i32
      %dma_start3A_80 = tpu.memref_slice %arg8[%run_scoped3A_72, %dma_start3A_79] : memref<40x128xi32, #tpu.memory_space<vmem>> -> memref<1x128xi32, #tpu.memory_space<vmem>>
      %dma_start3A_81 = tpu.memref_squeeze %dma_start3A_80 : memref<1x128xi32, #tpu.memory_space<vmem>> -> memref<128xi32, #tpu.memory_space<vmem>>
      %dma_start3A_82 = arith.constant 0 : i32
      %dma_start3A_83 = arith.constant 0 : i32
      %dma_start3A_84 = tpu.memref_slice %arg11[%dma_start3A_82, %dma_start3A_83] : memref<10240x128xf32, #tpu.memory_space<vmem_shared>> -> memref<10240x128xf32, #tpu.memory_space<vmem_shared>>
      tpu.enqueue_indirect_dma source(%arg10 : memref<128x128xf32, #tpu.memory_space<vmem>>) target(%dma_start3A_84 : memref<10240x128xf32, #tpu.memory_space<vmem_shared>>) offsets(%dma_start3A_81 : memref<128xi32, #tpu.memory_space<vmem>>) semaphore(%run_scoped3A_78 : memref<!tpu.dma_semaphore, #tpu.memory_space<semaphore_mem>>) {add = true}
      %dma_wait3A_85 = arith.constant 0 : i32
      %dma_wait3A_86 = tpu.memref_slice %arg8[%run_scoped3A_72, %dma_wait3A_85] : memref<40x128xi32, #tpu.memory_space<vmem>> -> memref<1x128xi32, #tpu.memory_space<vmem>>
      %dma_wait3A_87 = tpu.memref_squeeze %dma_wait3A_86 : memref<1x128xi32, #tpu.memory_space<vmem>> -> memref<128xi32, #tpu.memory_space<vmem>>
      %dma_wait3A_88 = arith.constant 0 : i32
      %dma_wait3A_89 = arith.constant 0 : i32
      %dma_wait3A_90 = tpu.memref_slice %arg11[%dma_wait3A_88, %dma_wait3A_89] : memref<10240x128xf32, #tpu.memory_space<vmem_shared>> -> memref<10240x128xf32, #tpu.memory_space<vmem_shared>>
      tpu.wait_indirect_dma semaphore(%run_scoped3A_78 : memref<!tpu.dma_semaphore, #tpu.memory_space<semaphore_mem>>) src(%arg10 : memref<128x128xf32, #tpu.memory_space<vmem>>) dst(%dma_wait3A_90 : memref<10240x128xf32, #tpu.memory_space<vmem_shared>>)
      tpu.yield
    }) : () -> ()
    %barrier3A_73 = arith.constant 0 : index
    tpu.barrier barrier_id(%barrier3A_73)
    %mul3A_74 = arith.constant 640 : i32
    %mul3A_75 = arith.muli %arg1, %mul3A_74 : i32
    %mul3A_76 = arith.constant 640 : i32
    %mul3A_77 = arith.muli %arg1, %mul3A_76 : i32
    "tpu.region"() ({
      %run_scoped3A_78 = tpu.sem_alloc : memref<!tpu.dma_semaphore, #tpu.memory_space<semaphore_mem>>
      %dma_start3A_79 = arith.constant 0 : i32
      %dma_start3A_80 = tpu.memref_slice %arg6[%arg0, %mul3A_77, %dma_start3A_79] : memref<2x10240x128xf32, #tpu.memory_space<hbm>> -> memref<1x640x128xf32, #tpu.memory_space<hbm>>
      %dma_start3A_81 = tpu.memref_squeeze %dma_start3A_80 : memref<1x640x128xf32, #tpu.memory_space<hbm>> -> memref<640x128xf32, #tpu.memory_space<hbm>>
      %dma_start3A_82 = arith.constant 0 : i32
      %dma_start3A_83 = tpu.memref_slice %arg11[%mul3A_75, %dma_start3A_82] : memref<10240x128xf32, #tpu.memory_space<vmem_shared>> -> memref<640x128xf32, #tpu.memory_space<vmem_shared>>
      tpu.enqueue_dma source(%dma_start3A_83 : memref<640x128xf32, #tpu.memory_space<vmem_shared>>) target(%dma_start3A_81 : memref<640x128xf32, #tpu.memory_space<hbm>>) target_semaphore(%run_scoped3A_78 : memref<!tpu.dma_semaphore, #tpu.memory_space<semaphore_mem>>)
      %dma_wait3A_84 = arith.constant 0 : i32
      %dma_wait3A_85 = tpu.memref_slice %arg6[%arg0, %mul3A_77, %dma_wait3A_84] : memref<2x10240x128xf32, #tpu.memory_space<hbm>> -> memref<1x640x128xf32, #tpu.memory_space<hbm>>
      %dma_wait3A_86 = tpu.memref_squeeze %dma_wait3A_85 : memref<1x640x128xf32, #tpu.memory_space<hbm>> -> memref<640x128xf32, #tpu.memory_space<hbm>>
      %dma_wait3A_87 = arith.constant 0 : i32
      %dma_wait3A_88 = tpu.memref_slice %arg11[%mul3A_75, %dma_wait3A_87] : memref<10240x128xf32, #tpu.memory_space<vmem_shared>> -> memref<640x128xf32, #tpu.memory_space<vmem_shared>>
      tpu.wait_dma2 semaphore(%run_scoped3A_78 : memref<!tpu.dma_semaphore, #tpu.memory_space<semaphore_mem>>) src(%dma_wait3A_88 : memref<640x128xf32, #tpu.memory_space<vmem_shared>>) dst(%dma_wait3A_86 : memref<640x128xf32, #tpu.memory_space<hbm>>)
      tpu.yield
    }) : () -> ()
    return
  }
}

#map = affine_map<(d0, d1) -> (0, 0)>
#map1 = affine_map<(d0, d1) -> (0, 0, 0)>
module attributes {stable_mosaic.version = 14 : i64} {
  func.func @_sc_embed_deg(%arg0: i32, %arg1: i32, %arg2: memref<10000x128xf32, #tpu.memory_space<hbm>>, %arg3: memref<32x5x64xi32, #tpu.memory_space<hbm>>, %arg4: memref<32x80x128xi32, #tpu.memory_space<hbm>>, %arg5: memref<128x128xf32, #tpu.memory_space<hbm>>, %arg6: memref<640x128xf32, #tpu.memory_space<hbm>>, %arg7: memref<10240x128xf32, #tpu.memory_space<hbm>>, %arg8: memref<2x10240x128xf32, #tpu.memory_space<hbm>>, %arg9: memref<5x64xi32, #tpu.memory_space<vmem>>, %arg10: memref<80x128xi32, #tpu.memory_space<vmem>>, %arg11: memref<64x128xf32, #tpu.memory_space<vmem>>, %arg12: memref<128x128xf32, #tpu.memory_space<vmem>>, %arg13: memref<10240x128xf32, #tpu.memory_space<vmem_shared>>, %arg14: memref<!tpu.dma_semaphore, #tpu.memory_space<semaphore_mem>>) attributes {dimension_semantics = [#tpu.dimension_semantics<core_parallel>, #tpu.dimension_semantics<subcore_parallel>], iteration_bounds = array<i64: 2, 16>, scalar_prefetch = 0 : i64, scratch_operands = 6 : i64, tpu.core_type = #tpu.core_type<sc_vector_subcore>, window_params = [{transform_indices = #map}, {transform_indices = #map1}, {transform_indices = #map1}, {transform_indices = #map}, {transform_indices = #map}, {transform_indices = #map}, {transform_indices = #map1}]} {
    %mul3A = arith.constant 16 : i32
    %mul3A_0 = arith.muli %arg0, %mul3A : i32
    %add3A = arith.addi %mul3A_0, %arg1 : i32
    "tpu.region"() ({
      %run_scoped3A = tpu.sem_alloc : memref<!tpu.dma_semaphore, #tpu.memory_space<semaphore_mem>>
      %dma_start3A = arith.constant 0 : i32
      %dma_start3A_21 = arith.constant 0 : i32
      %dma_start3A_22 = tpu.memref_slice %arg3[%add3A, %dma_start3A, %dma_start3A_21] : memref<32x5x64xi32, #tpu.memory_space<hbm>> -> memref<1x5x64xi32, #tpu.memory_space<hbm>>
      %dma_start3A_23 = tpu.memref_squeeze %dma_start3A_22 : memref<1x5x64xi32, #tpu.memory_space<hbm>> -> memref<5x64xi32, #tpu.memory_space<hbm>>
      %dma_start3A_24 = arith.constant 0 : i32
      %dma_start3A_25 = arith.constant 0 : i32
      %dma_start3A_26 = tpu.memref_slice %arg3[%add3A, %dma_start3A_24, %dma_start3A_25] : memref<32x5x64xi32, #tpu.memory_space<hbm>> -> memref<1x5x64xi32, #tpu.memory_space<hbm>>
      %dma_start3A_27 = tpu.memref_squeeze %dma_start3A_26 : memref<1x5x64xi32, #tpu.memory_space<hbm>> -> memref<5x64xi32, #tpu.memory_space<hbm>>
      tpu.enqueue_dma source(%dma_start3A_27 : memref<5x64xi32, #tpu.memory_space<hbm>>) target(%arg9 : memref<5x64xi32, #tpu.memory_space<vmem>>) target_semaphore(%run_scoped3A : memref<!tpu.dma_semaphore, #tpu.memory_space<semaphore_mem>>)
      %dma_wait3A = arith.constant 0 : i32
      %dma_wait3A_28 = arith.constant 0 : i32
      %dma_wait3A_29 = tpu.memref_slice %arg3[%add3A, %dma_wait3A, %dma_wait3A_28] : memref<32x5x64xi32, #tpu.memory_space<hbm>> -> memref<1x5x64xi32, #tpu.memory_space<hbm>>
      %dma_wait3A_30 = tpu.memref_squeeze %dma_wait3A_29 : memref<1x5x64xi32, #tpu.memory_space<hbm>> -> memref<5x64xi32, #tpu.memory_space<hbm>>
      %dma_wait3A_31 = arith.constant 0 : i32
      %dma_wait3A_32 = arith.constant 0 : i32
      %dma_wait3A_33 = tpu.memref_slice %arg3[%add3A, %dma_wait3A_31, %dma_wait3A_32] : memref<32x5x64xi32, #tpu.memory_space<hbm>> -> memref<1x5x64xi32, #tpu.memory_space<hbm>>
      %dma_wait3A_34 = tpu.memref_squeeze %dma_wait3A_33 : memref<1x5x64xi32, #tpu.memory_space<hbm>> -> memref<5x64xi32, #tpu.memory_space<hbm>>
      tpu.wait_dma2 semaphore(%run_scoped3A : memref<!tpu.dma_semaphore, #tpu.memory_space<semaphore_mem>>) src(%dma_wait3A_34 : memref<5x64xi32, #tpu.memory_space<hbm>>) dst(%arg9 : memref<5x64xi32, #tpu.memory_space<vmem>>)
      tpu.yield
    }) : () -> ()
    "tpu.region"() ({
      %run_scoped3A = tpu.sem_alloc : memref<!tpu.dma_semaphore, #tpu.memory_space<semaphore_mem>>
      %dma_start3A = arith.constant 0 : i32
      %dma_start3A_21 = arith.constant 0 : i32
      %dma_start3A_22 = tpu.memref_slice %arg4[%add3A, %dma_start3A, %dma_start3A_21] : memref<32x80x128xi32, #tpu.memory_space<hbm>> -> memref<1x80x128xi32, #tpu.memory_space<hbm>>
      %dma_start3A_23 = tpu.memref_squeeze %dma_start3A_22 : memref<1x80x128xi32, #tpu.memory_space<hbm>> -> memref<80x128xi32, #tpu.memory_space<hbm>>
      %dma_start3A_24 = arith.constant 0 : i32
      %dma_start3A_25 = arith.constant 0 : i32
      %dma_start3A_26 = tpu.memref_slice %arg4[%add3A, %dma_start3A_24, %dma_start3A_25] : memref<32x80x128xi32, #tpu.memory_space<hbm>> -> memref<1x80x128xi32, #tpu.memory_space<hbm>>
      %dma_start3A_27 = tpu.memref_squeeze %dma_start3A_26 : memref<1x80x128xi32, #tpu.memory_space<hbm>> -> memref<80x128xi32, #tpu.memory_space<hbm>>
      tpu.enqueue_dma source(%dma_start3A_27 : memref<80x128xi32, #tpu.memory_space<hbm>>) target(%arg10 : memref<80x128xi32, #tpu.memory_space<vmem>>) target_semaphore(%run_scoped3A : memref<!tpu.dma_semaphore, #tpu.memory_space<semaphore_mem>>)
      %dma_wait3A = arith.constant 0 : i32
      %dma_wait3A_28 = arith.constant 0 : i32
      %dma_wait3A_29 = tpu.memref_slice %arg4[%add3A, %dma_wait3A, %dma_wait3A_28] : memref<32x80x128xi32, #tpu.memory_space<hbm>> -> memref<1x80x128xi32, #tpu.memory_space<hbm>>
      %dma_wait3A_30 = tpu.memref_squeeze %dma_wait3A_29 : memref<1x80x128xi32, #tpu.memory_space<hbm>> -> memref<80x128xi32, #tpu.memory_space<hbm>>
      %dma_wait3A_31 = arith.constant 0 : i32
      %dma_wait3A_32 = arith.constant 0 : i32
      %dma_wait3A_33 = tpu.memref_slice %arg4[%add3A, %dma_wait3A_31, %dma_wait3A_32] : memref<32x80x128xi32, #tpu.memory_space<hbm>> -> memref<1x80x128xi32, #tpu.memory_space<hbm>>
      %dma_wait3A_34 = tpu.memref_squeeze %dma_wait3A_33 : memref<1x80x128xi32, #tpu.memory_space<hbm>> -> memref<80x128xi32, #tpu.memory_space<hbm>>
      tpu.wait_dma2 semaphore(%run_scoped3A : memref<!tpu.dma_semaphore, #tpu.memory_space<semaphore_mem>>) src(%dma_wait3A_34 : memref<80x128xi32, #tpu.memory_space<hbm>>) dst(%arg10 : memref<80x128xi32, #tpu.memory_space<vmem>>)
      tpu.yield
    }) : () -> ()
    "tpu.region"() ({
      %run_scoped3A = tpu.sem_alloc : memref<!tpu.dma_semaphore, #tpu.memory_space<semaphore_mem>>
      tpu.enqueue_dma source(%arg5 : memref<128x128xf32, #tpu.memory_space<hbm>>) target(%arg12 : memref<128x128xf32, #tpu.memory_space<vmem>>) target_semaphore(%run_scoped3A : memref<!tpu.dma_semaphore, #tpu.memory_space<semaphore_mem>>)
      tpu.wait_dma2 semaphore(%run_scoped3A : memref<!tpu.dma_semaphore, #tpu.memory_space<semaphore_mem>>) src(%arg5 : memref<128x128xf32, #tpu.memory_space<hbm>>) dst(%arg12 : memref<128x128xf32, #tpu.memory_space<vmem>>)
      tpu.yield
    }) : () -> ()
    %mul3A_1 = arith.constant 640 : i32
    %mul3A_2 = arith.muli %arg1, %mul3A_1 : i32
    "tpu.region"() ({
      %run_scoped3A = tpu.sem_alloc : memref<!tpu.dma_semaphore, #tpu.memory_space<semaphore_mem>>
      %dma_start3A = arith.constant 0 : i32
      %dma_start3A_21 = tpu.memref_slice %arg13[%mul3A_2, %dma_start3A] : memref<10240x128xf32, #tpu.memory_space<vmem_shared>> -> memref<640x128xf32, #tpu.memory_space<vmem_shared>>
      tpu.enqueue_dma source(%arg6 : memref<640x128xf32, #tpu.memory_space<hbm>>) target(%dma_start3A_21 : memref<640x128xf32, #tpu.memory_space<vmem_shared>>) target_semaphore(%run_scoped3A : memref<!tpu.dma_semaphore, #tpu.memory_space<semaphore_mem>>)
      %dma_wait3A = arith.constant 0 : i32
      %dma_wait3A_22 = tpu.memref_slice %arg13[%mul3A_2, %dma_wait3A] : memref<10240x128xf32, #tpu.memory_space<vmem_shared>> -> memref<640x128xf32, #tpu.memory_space<vmem_shared>>
      tpu.wait_dma2 semaphore(%run_scoped3A : memref<!tpu.dma_semaphore, #tpu.memory_space<semaphore_mem>>) src(%arg6 : memref<640x128xf32, #tpu.memory_space<hbm>>) dst(%dma_wait3A_22 : memref<640x128xf32, #tpu.memory_space<vmem_shared>>)
      tpu.yield
    }) : () -> ()
    %barrier3A = arith.constant 0 : index
    tpu.barrier barrier_id(%barrier3A)
    %scan3A = arith.constant 0 : i32
    %scan3A_3 = arith.constant 0 : i32
    %scan3A_4 = arith.constant 5 : i32
    %scan3A_5 = arith.addi %scan3A_3, %scan3A_4 : i32
    %scan3A_6 = arith.constant 1 : i32
    %scan3A_7 = scf.for %scan3A_21 = %scan3A_3 to %scan3A_5 step %scan3A_6 iter_args(%scan3A_22 = %scan3A) -> (i32)  : i32 {
      %dma_start3A = arith.constant 0 : i32
      %dma_start3A_23 = tpu.memref_slice %arg9[%scan3A_21, %dma_start3A] : memref<5x64xi32, #tpu.memory_space<vmem>> -> memref<1x64xi32, #tpu.memory_space<vmem>>
      %dma_start3A_24 = tpu.memref_squeeze %dma_start3A_23 : memref<1x64xi32, #tpu.memory_space<vmem>> -> memref<64xi32, #tpu.memory_space<vmem>>
      %dma_start3A_25 = arith.constant 0 : i32
      %dma_start3A_26 = arith.constant 0 : i32
      %dma_start3A_27 = tpu.memref_slice %arg2[%dma_start3A_25, %dma_start3A_26] : memref<10000x128xf32, #tpu.memory_space<hbm>> -> memref<10000x128xf32, #tpu.memory_space<hbm>>
      tpu.enqueue_indirect_dma source(%dma_start3A_27 : memref<10000x128xf32, #tpu.memory_space<hbm>>) target(%arg11 : memref<64x128xf32, #tpu.memory_space<vmem>>) offsets(%dma_start3A_24 : memref<64xi32, #tpu.memory_space<vmem>>) semaphore(%arg14 : memref<!tpu.dma_semaphore, #tpu.memory_space<semaphore_mem>>)
      %dma_wait3A = arith.constant 0 : i32
      %dma_wait3A_28 = tpu.memref_slice %arg9[%scan3A_21, %dma_wait3A] : memref<5x64xi32, #tpu.memory_space<vmem>> -> memref<1x64xi32, #tpu.memory_space<vmem>>
      %dma_wait3A_29 = tpu.memref_squeeze %dma_wait3A_28 : memref<1x64xi32, #tpu.memory_space<vmem>> -> memref<64xi32, #tpu.memory_space<vmem>>
      %dma_wait3A_30 = arith.constant 0 : i32
      %dma_wait3A_31 = arith.constant 0 : i32
      %dma_wait3A_32 = tpu.memref_slice %arg2[%dma_wait3A_30, %dma_wait3A_31] : memref<10000x128xf32, #tpu.memory_space<hbm>> -> memref<10000x128xf32, #tpu.memory_space<hbm>>
      tpu.wait_indirect_dma semaphore(%arg14 : memref<!tpu.dma_semaphore, #tpu.memory_space<semaphore_mem>>) src(%dma_wait3A_32 : memref<10000x128xf32, #tpu.memory_space<hbm>>) dst(%arg11 : memref<64x128xf32, #tpu.memory_space<vmem>>)
      %mul3A_33 = arith.constant 320 : i32
      %mul3A_34 = arith.muli %add3A, %mul3A_33 : i32
      %mul3A_35 = arith.constant 64 : i32
      %mul3A_36 = arith.muli %scan3A_21, %mul3A_35 : i32
      %add3A_37 = arith.addi %mul3A_34, %mul3A_36 : i32
      "tpu.region"() ({
        %run_scoped3A = tpu.sem_alloc : memref<!tpu.dma_semaphore, #tpu.memory_space<semaphore_mem>>
        %dma_start3A_39 = arith.constant 0 : i32
        %dma_start3A_40 = tpu.memref_slice %arg7[%add3A_37, %dma_start3A_39] : memref<10240x128xf32, #tpu.memory_space<hbm>> -> memref<64x128xf32, #tpu.memory_space<hbm>>
        %dma_start3A_41 = arith.constant 0 : i32
        %dma_start3A_42 = tpu.memref_slice %arg7[%add3A_37, %dma_start3A_41] : memref<10240x128xf32, #tpu.memory_space<hbm>> -> memref<64x128xf32, #tpu.memory_space<hbm>>
        tpu.enqueue_dma source(%arg11 : memref<64x128xf32, #tpu.memory_space<vmem>>) target(%dma_start3A_42 : memref<64x128xf32, #tpu.memory_space<hbm>>) target_semaphore(%run_scoped3A : memref<!tpu.dma_semaphore, #tpu.memory_space<semaphore_mem>>)
        %dma_wait3A_43 = arith.constant 0 : i32
        %dma_wait3A_44 = tpu.memref_slice %arg7[%add3A_37, %dma_wait3A_43] : memref<10240x128xf32, #tpu.memory_space<hbm>> -> memref<64x128xf32, #tpu.memory_space<hbm>>
        %dma_wait3A_45 = arith.constant 0 : i32
        %dma_wait3A_46 = tpu.memref_slice %arg7[%add3A_37, %dma_wait3A_45] : memref<10240x128xf32, #tpu.memory_space<hbm>> -> memref<64x128xf32, #tpu.memory_space<hbm>>
        tpu.wait_dma2 semaphore(%run_scoped3A : memref<!tpu.dma_semaphore, #tpu.memory_space<semaphore_mem>>) src(%arg11 : memref<64x128xf32, #tpu.memory_space<vmem>>) dst(%dma_wait3A_46 : memref<64x128xf32, #tpu.memory_space<hbm>>)
        tpu.yield
      }) : () -> ()
      %scan3A_38 = arith.constant 0 : i32
      scf.yield %scan3A_38 : i32
    }
    %scan3A_8 = arith.constant 5 : i32
    %scan3A_9 = arith.constant 0 : i32
    %scan3A_10 = arith.constant 0 : i32
    %scan3A_11 = arith.constant 80 : i32
    %scan3A_12 = arith.addi %scan3A_10, %scan3A_11 : i32
    %scan3A_13 = arith.constant 1 : i32
    %scan3A_14 = scf.for %scan3A_21 = %scan3A_10 to %scan3A_12 step %scan3A_13 iter_args(%scan3A_22 = %scan3A_9) -> (i32)  : i32 {
      "tpu.region"() ({
        %run_scoped3A = tpu.sem_alloc : memref<!tpu.dma_semaphore, #tpu.memory_space<semaphore_mem>>
        %dma_start3A = arith.constant 0 : i32
        %dma_start3A_24 = tpu.memref_slice %arg10[%scan3A_21, %dma_start3A] : memref<80x128xi32, #tpu.memory_space<vmem>> -> memref<1x128xi32, #tpu.memory_space<vmem>>
        %dma_start3A_25 = tpu.memref_squeeze %dma_start3A_24 : memref<1x128xi32, #tpu.memory_space<vmem>> -> memref<128xi32, #tpu.memory_space<vmem>>
        %dma_start3A_26 = arith.constant 0 : i32
        %dma_start3A_27 = arith.constant 0 : i32
        %dma_start3A_28 = tpu.memref_slice %arg13[%dma_start3A_26, %dma_start3A_27] : memref<10240x128xf32, #tpu.memory_space<vmem_shared>> -> memref<10240x128xf32, #tpu.memory_space<vmem_shared>>
        tpu.enqueue_indirect_dma source(%arg12 : memref<128x128xf32, #tpu.memory_space<vmem>>) target(%dma_start3A_28 : memref<10240x128xf32, #tpu.memory_space<vmem_shared>>) offsets(%dma_start3A_25 : memref<128xi32, #tpu.memory_space<vmem>>) semaphore(%run_scoped3A : memref<!tpu.dma_semaphore, #tpu.memory_space<semaphore_mem>>) {add = true}
        %dma_wait3A = arith.constant 0 : i32
        %dma_wait3A_29 = tpu.memref_slice %arg10[%scan3A_21, %dma_wait3A] : memref<80x128xi32, #tpu.memory_space<vmem>> -> memref<1x128xi32, #tpu.memory_space<vmem>>
        %dma_wait3A_30 = tpu.memref_squeeze %dma_wait3A_29 : memref<1x128xi32, #tpu.memory_space<vmem>> -> memref<128xi32, #tpu.memory_space<vmem>>
        %dma_wait3A_31 = arith.constant 0 : i32
        %dma_wait3A_32 = arith.constant 0 : i32
        %dma_wait3A_33 = tpu.memref_slice %arg13[%dma_wait3A_31, %dma_wait3A_32] : memref<10240x128xf32, #tpu.memory_space<vmem_shared>> -> memref<10240x128xf32, #tpu.memory_space<vmem_shared>>
        tpu.wait_indirect_dma semaphore(%run_scoped3A : memref<!tpu.dma_semaphore, #tpu.memory_space<semaphore_mem>>) src(%arg12 : memref<128x128xf32, #tpu.memory_space<vmem>>) dst(%dma_wait3A_33 : memref<10240x128xf32, #tpu.memory_space<vmem_shared>>)
        tpu.yield
      }) : () -> ()
      %scan3A_23 = arith.constant 0 : i32
      scf.yield %scan3A_23 : i32
    }
    %scan3A_15 = arith.constant 80 : i32
    %barrier3A_16 = arith.constant 0 : index
    tpu.barrier barrier_id(%barrier3A_16)
    %mul3A_17 = arith.constant 640 : i32
    %mul3A_18 = arith.muli %arg1, %mul3A_17 : i32
    %mul3A_19 = arith.constant 640 : i32
    %mul3A_20 = arith.muli %arg1, %mul3A_19 : i32
    "tpu.region"() ({
      %run_scoped3A = tpu.sem_alloc : memref<!tpu.dma_semaphore, #tpu.memory_space<semaphore_mem>>
      %dma_start3A = arith.constant 0 : i32
      %dma_start3A_21 = tpu.memref_slice %arg8[%arg0, %mul3A_20, %dma_start3A] : memref<2x10240x128xf32, #tpu.memory_space<hbm>> -> memref<1x640x128xf32, #tpu.memory_space<hbm>>
      %dma_start3A_22 = tpu.memref_squeeze %dma_start3A_21 : memref<1x640x128xf32, #tpu.memory_space<hbm>> -> memref<640x128xf32, #tpu.memory_space<hbm>>
      %dma_start3A_23 = arith.constant 0 : i32
      %dma_start3A_24 = tpu.memref_slice %arg13[%mul3A_18, %dma_start3A_23] : memref<10240x128xf32, #tpu.memory_space<vmem_shared>> -> memref<640x128xf32, #tpu.memory_space<vmem_shared>>
      tpu.enqueue_dma source(%dma_start3A_24 : memref<640x128xf32, #tpu.memory_space<vmem_shared>>) target(%dma_start3A_22 : memref<640x128xf32, #tpu.memory_space<hbm>>) target_semaphore(%run_scoped3A : memref<!tpu.dma_semaphore, #tpu.memory_space<semaphore_mem>>)
      %dma_wait3A = arith.constant 0 : i32
      %dma_wait3A_25 = tpu.memref_slice %arg8[%arg0, %mul3A_20, %dma_wait3A] : memref<2x10240x128xf32, #tpu.memory_space<hbm>> -> memref<1x640x128xf32, #tpu.memory_space<hbm>>
      %dma_wait3A_26 = tpu.memref_squeeze %dma_wait3A_25 : memref<1x640x128xf32, #tpu.memory_space<hbm>> -> memref<640x128xf32, #tpu.memory_space<hbm>>
      %dma_wait3A_27 = arith.constant 0 : i32
      %dma_wait3A_28 = tpu.memref_slice %arg13[%mul3A_18, %dma_wait3A_27] : memref<10240x128xf32, #tpu.memory_space<vmem_shared>> -> memref<640x128xf32, #tpu.memory_space<vmem_shared>>
      tpu.wait_dma2 semaphore(%run_scoped3A : memref<!tpu.dma_semaphore, #tpu.memory_space<semaphore_mem>>) src(%dma_wait3A_28 : memref<640x128xf32, #tpu.memory_space<vmem_shared>>) dst(%dma_wait3A_26 : memref<640x128xf32, #tpu.memory_space<hbm>>)
      tpu.yield
    }) : () -> ()
    return
  }
}

#map = affine_map<(d0, d1) -> (0, 0)>
#map1 = affine_map<(d0, d1) -> (0, 0, 0)>
module attributes {stable_mosaic.version = 14 : i64} {
  func.func @_sc_edge_agg(%arg0: i32, %arg1: i32, %arg2: memref<10240x128xf32, #tpu.memory_space<hbm>>, %arg3: memref<32x80x128xi32, #tpu.memory_space<hbm>>, %arg4: memref<32x80x128xi32, #tpu.memory_space<hbm>>, %arg5: memref<640x128xf32, #tpu.memory_space<hbm>>, %arg6: memref<2x10240x128xf32, #tpu.memory_space<hbm>>, %arg7: memref<40x128xi32, #tpu.memory_space<vmem>>, %arg8: memref<40x128xi32, #tpu.memory_space<vmem>>, %arg9: memref<128x128xf32, #tpu.memory_space<vmem>>, %arg10: memref<128x128xf32, #tpu.memory_space<vmem>>, %arg11: memref<10240x128xf32, #tpu.memory_space<vmem_shared>>, %arg12: memref<!tpu.dma_semaphore, #tpu.memory_space<semaphore_mem>>, %arg13: memref<!tpu.dma_semaphore, #tpu.memory_space<semaphore_mem>>) attributes {dimension_semantics = [#tpu.dimension_semantics<core_parallel>, #tpu.dimension_semantics<subcore_parallel>], iteration_bounds = array<i64: 2, 16>, scalar_prefetch = 0 : i64, scratch_operands = 7 : i64, tpu.core_type = #tpu.core_type<sc_vector_subcore>, window_params = [{transform_indices = #map}, {transform_indices = #map1}, {transform_indices = #map1}, {transform_indices = #map}, {transform_indices = #map1}]} {
    %mul3A = arith.constant 16 : i32
    %mul3A_0 = arith.muli %arg0, %mul3A : i32
    %add3A = arith.addi %mul3A_0, %arg1 : i32
    %mul3A_1 = arith.constant 640 : i32
    %mul3A_2 = arith.muli %arg1, %mul3A_1 : i32
    "tpu.region"() ({
      %run_scoped3A_78 = tpu.sem_alloc : memref<!tpu.dma_semaphore, #tpu.memory_space<semaphore_mem>>
      %dma_start3A_79 = arith.constant 0 : i32
      %dma_start3A_80 = tpu.memref_slice %arg11[%mul3A_2, %dma_start3A_79] : memref<10240x128xf32, #tpu.memory_space<vmem_shared>> -> memref<640x128xf32, #tpu.memory_space<vmem_shared>>
      tpu.enqueue_dma source(%arg5 : memref<640x128xf32, #tpu.memory_space<hbm>>) target(%dma_start3A_80 : memref<640x128xf32, #tpu.memory_space<vmem_shared>>) target_semaphore(%run_scoped3A_78 : memref<!tpu.dma_semaphore, #tpu.memory_space<semaphore_mem>>)
      %dma_wait3A_81 = arith.constant 0 : i32
      %dma_wait3A_82 = tpu.memref_slice %arg11[%mul3A_2, %dma_wait3A_81] : memref<10240x128xf32, #tpu.memory_space<vmem_shared>> -> memref<640x128xf32, #tpu.memory_space<vmem_shared>>
      tpu.wait_dma2 semaphore(%run_scoped3A_78 : memref<!tpu.dma_semaphore, #tpu.memory_space<semaphore_mem>>) src(%arg5 : memref<640x128xf32, #tpu.memory_space<hbm>>) dst(%dma_wait3A_82 : memref<640x128xf32, #tpu.memory_space<vmem_shared>>)
      tpu.yield
    }) : () -> ()
    %barrier3A = arith.constant 0 : index
    tpu.barrier barrier_id(%barrier3A)
    "tpu.region"() ({
      %run_scoped3A_78 = tpu.sem_alloc : memref<!tpu.dma_semaphore, #tpu.memory_space<semaphore_mem>>
      %dma_start3A_79 = arith.constant 0 : i32
      %dma_start3A_80 = arith.constant 0 : i32
      %dma_start3A_81 = tpu.memref_slice %arg3[%add3A, %dma_start3A_79, %dma_start3A_80] : memref<32x80x128xi32, #tpu.memory_space<hbm>> -> memref<1x40x128xi32, #tpu.memory_space<hbm>>
      %dma_start3A_82 = tpu.memref_squeeze %dma_start3A_81 : memref<1x40x128xi32, #tpu.memory_space<hbm>> -> memref<40x128xi32, #tpu.memory_space<hbm>>
      %dma_start3A_83 = arith.constant 0 : i32
      %dma_start3A_84 = arith.constant 0 : i32
      %dma_start3A_85 = tpu.memref_slice %arg3[%add3A, %dma_start3A_83, %dma_start3A_84] : memref<32x80x128xi32, #tpu.memory_space<hbm>> -> memref<1x40x128xi32, #tpu.memory_space<hbm>>
      %dma_start3A_86 = tpu.memref_squeeze %dma_start3A_85 : memref<1x40x128xi32, #tpu.memory_space<hbm>> -> memref<40x128xi32, #tpu.memory_space<hbm>>
      tpu.enqueue_dma source(%dma_start3A_86 : memref<40x128xi32, #tpu.memory_space<hbm>>) target(%arg7 : memref<40x128xi32, #tpu.memory_space<vmem>>) target_semaphore(%run_scoped3A_78 : memref<!tpu.dma_semaphore, #tpu.memory_space<semaphore_mem>>)
      %dma_wait3A_87 = arith.constant 0 : i32
      %dma_wait3A_88 = arith.constant 0 : i32
      %dma_wait3A_89 = tpu.memref_slice %arg3[%add3A, %dma_wait3A_87, %dma_wait3A_88] : memref<32x80x128xi32, #tpu.memory_space<hbm>> -> memref<1x40x128xi32, #tpu.memory_space<hbm>>
      %dma_wait3A_90 = tpu.memref_squeeze %dma_wait3A_89 : memref<1x40x128xi32, #tpu.memory_space<hbm>> -> memref<40x128xi32, #tpu.memory_space<hbm>>
      %dma_wait3A_91 = arith.constant 0 : i32
      %dma_wait3A_92 = arith.constant 0 : i32
      %dma_wait3A_93 = tpu.memref_slice %arg3[%add3A, %dma_wait3A_91, %dma_wait3A_92] : memref<32x80x128xi32, #tpu.memory_space<hbm>> -> memref<1x40x128xi32, #tpu.memory_space<hbm>>
      %dma_wait3A_94 = tpu.memref_squeeze %dma_wait3A_93 : memref<1x40x128xi32, #tpu.memory_space<hbm>> -> memref<40x128xi32, #tpu.memory_space<hbm>>
      tpu.wait_dma2 semaphore(%run_scoped3A_78 : memref<!tpu.dma_semaphore, #tpu.memory_space<semaphore_mem>>) src(%dma_wait3A_94 : memref<40x128xi32, #tpu.memory_space<hbm>>) dst(%arg7 : memref<40x128xi32, #tpu.memory_space<vmem>>)
      tpu.yield
    }) : () -> ()
    "tpu.region"() ({
      %run_scoped3A_78 = tpu.sem_alloc : memref<!tpu.dma_semaphore, #tpu.memory_space<semaphore_mem>>
      %dma_start3A_79 = arith.constant 0 : i32
      %dma_start3A_80 = arith.constant 0 : i32
      %dma_start3A_81 = tpu.memref_slice %arg4[%add3A, %dma_start3A_79, %dma_start3A_80] : memref<32x80x128xi32, #tpu.memory_space<hbm>> -> memref<1x40x128xi32, #tpu.memory_space<hbm>>
      %dma_start3A_82 = tpu.memref_squeeze %dma_start3A_81 : memref<1x40x128xi32, #tpu.memory_space<hbm>> -> memref<40x128xi32, #tpu.memory_space<hbm>>
      %dma_start3A_83 = arith.constant 0 : i32
      %dma_start3A_84 = arith.constant 0 : i32
      %dma_start3A_85 = tpu.memref_slice %arg4[%add3A, %dma_start3A_83, %dma_start3A_84] : memref<32x80x128xi32, #tpu.memory_space<hbm>> -> memref<1x40x128xi32, #tpu.memory_space<hbm>>
      %dma_start3A_86 = tpu.memref_squeeze %dma_start3A_85 : memref<1x40x128xi32, #tpu.memory_space<hbm>> -> memref<40x128xi32, #tpu.memory_space<hbm>>
      tpu.enqueue_dma source(%dma_start3A_86 : memref<40x128xi32, #tpu.memory_space<hbm>>) target(%arg8 : memref<40x128xi32, #tpu.memory_space<vmem>>) target_semaphore(%run_scoped3A_78 : memref<!tpu.dma_semaphore, #tpu.memory_space<semaphore_mem>>)
      %dma_wait3A_87 = arith.constant 0 : i32
      %dma_wait3A_88 = arith.constant 0 : i32
      %dma_wait3A_89 = tpu.memref_slice %arg4[%add3A, %dma_wait3A_87, %dma_wait3A_88] : memref<32x80x128xi32, #tpu.memory_space<hbm>> -> memref<1x40x128xi32, #tpu.memory_space<hbm>>
      %dma_wait3A_90 = tpu.memref_squeeze %dma_wait3A_89 : memref<1x40x128xi32, #tpu.memory_space<hbm>> -> memref<40x128xi32, #tpu.memory_space<hbm>>
      %dma_wait3A_91 = arith.constant 0 : i32
      %dma_wait3A_92 = arith.constant 0 : i32
      %dma_wait3A_93 = tpu.memref_slice %arg4[%add3A, %dma_wait3A_91, %dma_wait3A_92] : memref<32x80x128xi32, #tpu.memory_space<hbm>> -> memref<1x40x128xi32, #tpu.memory_space<hbm>>
      %dma_wait3A_94 = tpu.memref_squeeze %dma_wait3A_93 : memref<1x40x128xi32, #tpu.memory_space<hbm>> -> memref<40x128xi32, #tpu.memory_space<hbm>>
      tpu.wait_dma2 semaphore(%run_scoped3A_78 : memref<!tpu.dma_semaphore, #tpu.memory_space<semaphore_mem>>) src(%dma_wait3A_94 : memref<40x128xi32, #tpu.memory_space<hbm>>) dst(%arg8 : memref<40x128xi32, #tpu.memory_space<vmem>>)
      tpu.yield
    }) : () -> ()
    %dma_start3A = arith.constant 0 : i32
    %dma_start3A_3 = arith.constant 0 : i32
    %dma_start3A_4 = tpu.memref_slice %arg7[%dma_start3A, %dma_start3A_3] : memref<40x128xi32, #tpu.memory_space<vmem>> -> memref<1x128xi32, #tpu.memory_space<vmem>>
    %dma_start3A_5 = tpu.memref_squeeze %dma_start3A_4 : memref<1x128xi32, #tpu.memory_space<vmem>> -> memref<128xi32, #tpu.memory_space<vmem>>
    %dma_start3A_6 = arith.constant 0 : i32
    %dma_start3A_7 = arith.constant 0 : i32
    %dma_start3A_8 = tpu.memref_slice %arg2[%dma_start3A_6, %dma_start3A_7] : memref<10240x128xf32, #tpu.memory_space<hbm>> -> memref<10240x128xf32, #tpu.memory_space<hbm>>
    tpu.enqueue_indirect_dma source(%dma_start3A_8 : memref<10240x128xf32, #tpu.memory_space<hbm>>) target(%arg9 : memref<128x128xf32, #tpu.memory_space<vmem>>) offsets(%dma_start3A_5 : memref<128xi32, #tpu.memory_space<vmem>>) semaphore(%arg12 : memref<!tpu.dma_semaphore, #tpu.memory_space<semaphore_mem>>)
    %dma_start3A_9 = arith.constant 1 : i32
    %dma_start3A_10 = arith.constant 0 : i32
    %dma_start3A_11 = tpu.memref_slice %arg7[%dma_start3A_9, %dma_start3A_10] : memref<40x128xi32, #tpu.memory_space<vmem>> -> memref<1x128xi32, #tpu.memory_space<vmem>>
    %dma_start3A_12 = tpu.memref_squeeze %dma_start3A_11 : memref<1x128xi32, #tpu.memory_space<vmem>> -> memref<128xi32, #tpu.memory_space<vmem>>
    %dma_start3A_13 = arith.constant 0 : i32
    %dma_start3A_14 = arith.constant 0 : i32
    %dma_start3A_15 = tpu.memref_slice %arg2[%dma_start3A_13, %dma_start3A_14] : memref<10240x128xf32, #tpu.memory_space<hbm>> -> memref<10240x128xf32, #tpu.memory_space<hbm>>
    tpu.enqueue_indirect_dma source(%dma_start3A_15 : memref<10240x128xf32, #tpu.memory_space<hbm>>) target(%arg10 : memref<128x128xf32, #tpu.memory_space<vmem>>) offsets(%dma_start3A_12 : memref<128xi32, #tpu.memory_space<vmem>>) semaphore(%arg13 : memref<!tpu.dma_semaphore, #tpu.memory_space<semaphore_mem>>)
    %scan3A = arith.constant 0 : i32
    %scan3A_16 = arith.constant 0 : i32
    %scan3A_17 = arith.constant 19 : i32
    %scan3A_18 = arith.addi %scan3A_16, %scan3A_17 : i32
    %scan3A_19 = arith.constant 1 : i32
    %scan3A_20 = scf.for %scan3A_78 = %scan3A_16 to %scan3A_18 step %scan3A_19 iter_args(%scan3A_79 = %scan3A) -> (i32)  : i32 {
      %mul3A_80 = arith.constant 2 : i32
      %mul3A_81 = arith.muli %mul3A_80, %scan3A_78 : i32
      %dma_wait3A_82 = arith.constant 0 : i32
      %dma_wait3A_83 = tpu.memref_slice %arg7[%mul3A_81, %dma_wait3A_82] : memref<40x128xi32, #tpu.memory_space<vmem>> -> memref<1x128xi32, #tpu.memory_space<vmem>>
      %dma_wait3A_84 = tpu.memref_squeeze %dma_wait3A_83 : memref<1x128xi32, #tpu.memory_space<vmem>> -> memref<128xi32, #tpu.memory_space<vmem>>
      %dma_wait3A_85 = arith.constant 0 : i32
      %dma_wait3A_86 = arith.constant 0 : i32
      %dma_wait3A_87 = tpu.memref_slice %arg2[%dma_wait3A_85, %dma_wait3A_86] : memref<10240x128xf32, #tpu.memory_space<hbm>> -> memref<10240x128xf32, #tpu.memory_space<hbm>>
      tpu.wait_indirect_dma semaphore(%arg12 : memref<!tpu.dma_semaphore, #tpu.memory_space<semaphore_mem>>) src(%dma_wait3A_87 : memref<10240x128xf32, #tpu.memory_space<hbm>>) dst(%arg9 : memref<128x128xf32, #tpu.memory_space<vmem>>)
      "tpu.region"() ({
        %run_scoped3A_115 = tpu.sem_alloc : memref<!tpu.dma_semaphore, #tpu.memory_space<semaphore_mem>>
        %dma_start3A_116 = arith.constant 0 : i32
        %dma_start3A_117 = tpu.memref_slice %arg8[%mul3A_81, %dma_start3A_116] : memref<40x128xi32, #tpu.memory_space<vmem>> -> memref<1x128xi32, #tpu.memory_space<vmem>>
        %dma_start3A_118 = tpu.memref_squeeze %dma_start3A_117 : memref<1x128xi32, #tpu.memory_space<vmem>> -> memref<128xi32, #tpu.memory_space<vmem>>
        %dma_start3A_119 = arith.constant 0 : i32
        %dma_start3A_120 = arith.constant 0 : i32
        %dma_start3A_121 = tpu.memref_slice %arg11[%dma_start3A_119, %dma_start3A_120] : memref<10240x128xf32, #tpu.memory_space<vmem_shared>> -> memref<10240x128xf32, #tpu.memory_space<vmem_shared>>
        tpu.enqueue_indirect_dma source(%arg9 : memref<128x128xf32, #tpu.memory_space<vmem>>) target(%dma_start3A_121 : memref<10240x128xf32, #tpu.memory_space<vmem_shared>>) offsets(%dma_start3A_118 : memref<128xi32, #tpu.memory_space<vmem>>) semaphore(%run_scoped3A_115 : memref<!tpu.dma_semaphore, #tpu.memory_space<semaphore_mem>>) {add = true}
        %dma_wait3A_122 = arith.constant 0 : i32
        %dma_wait3A_123 = tpu.memref_slice %arg8[%mul3A_81, %dma_wait3A_122] : memref<40x128xi32, #tpu.memory_space<vmem>> -> memref<1x128xi32, #tpu.memory_space<vmem>>
        %dma_wait3A_124 = tpu.memref_squeeze %dma_wait3A_123 : memref<1x128xi32, #tpu.memory_space<vmem>> -> memref<128xi32, #tpu.memory_space<vmem>>
        %dma_wait3A_125 = arith.constant 0 : i32
        %dma_wait3A_126 = arith.constant 0 : i32
        %dma_wait3A_127 = tpu.memref_slice %arg11[%dma_wait3A_125, %dma_wait3A_126] : memref<10240x128xf32, #tpu.memory_space<vmem_shared>> -> memref<10240x128xf32, #tpu.memory_space<vmem_shared>>
        tpu.wait_indirect_dma semaphore(%run_scoped3A_115 : memref<!tpu.dma_semaphore, #tpu.memory_space<semaphore_mem>>) src(%arg9 : memref<128x128xf32, #tpu.memory_space<vmem>>) dst(%dma_wait3A_127 : memref<10240x128xf32, #tpu.memory_space<vmem_shared>>)
        tpu.yield
      }) : () -> ()
      %add3A_88 = arith.constant 2 : i32
      %add3A_89 = arith.addi %mul3A_81, %add3A_88 : i32
      %dma_start3A_90 = arith.constant 0 : i32
      %dma_start3A_91 = tpu.memref_slice %arg7[%add3A_89, %dma_start3A_90] : memref<40x128xi32, #tpu.memory_space<vmem>> -> memref<1x128xi32, #tpu.memory_space<vmem>>
      %dma_start3A_92 = tpu.memref_squeeze %dma_start3A_91 : memref<1x128xi32, #tpu.memory_space<vmem>> -> memref<128xi32, #tpu.memory_space<vmem>>
      %dma_start3A_93 = arith.constant 0 : i32
      %dma_start3A_94 = arith.constant 0 : i32
      %dma_start3A_95 = tpu.memref_slice %arg2[%dma_start3A_93, %dma_start3A_94] : memref<10240x128xf32, #tpu.memory_space<hbm>> -> memref<10240x128xf32, #tpu.memory_space<hbm>>
      tpu.enqueue_indirect_dma source(%dma_start3A_95 : memref<10240x128xf32, #tpu.memory_space<hbm>>) target(%arg9 : memref<128x128xf32, #tpu.memory_space<vmem>>) offsets(%dma_start3A_92 : memref<128xi32, #tpu.memory_space<vmem>>) semaphore(%arg12 : memref<!tpu.dma_semaphore, #tpu.memory_space<semaphore_mem>>)
      %add3A_96 = arith.constant 1 : i32
      %add3A_97 = arith.addi %mul3A_81, %add3A_96 : i32
      %dma_wait3A_98 = arith.constant 0 : i32
      %dma_wait3A_99 = tpu.memref_slice %arg7[%add3A_97, %dma_wait3A_98] : memref<40x128xi32, #tpu.memory_space<vmem>> -> memref<1x128xi32, #tpu.memory_space<vmem>>
      %dma_wait3A_100 = tpu.memref_squeeze %dma_wait3A_99 : memref<1x128xi32, #tpu.memory_space<vmem>> -> memref<128xi32, #tpu.memory_space<vmem>>
      %dma_wait3A_101 = arith.constant 0 : i32
      %dma_wait3A_102 = arith.constant 0 : i32
      %dma_wait3A_103 = tpu.memref_slice %arg2[%dma_wait3A_101, %dma_wait3A_102] : memref<10240x128xf32, #tpu.memory_space<hbm>> -> memref<10240x128xf32, #tpu.memory_space<hbm>>
      tpu.wait_indirect_dma semaphore(%arg13 : memref<!tpu.dma_semaphore, #tpu.memory_space<semaphore_mem>>) src(%dma_wait3A_103 : memref<10240x128xf32, #tpu.memory_space<hbm>>) dst(%arg10 : memref<128x128xf32, #tpu.memory_space<vmem>>)
      %add3A_104 = arith.constant 1 : i32
      %add3A_105 = arith.addi %mul3A_81, %add3A_104 : i32
      "tpu.region"() ({
        %run_scoped3A_115 = tpu.sem_alloc : memref<!tpu.dma_semaphore, #tpu.memory_space<semaphore_mem>>
        %dma_start3A_116 = arith.constant 0 : i32
        %dma_start3A_117 = tpu.memref_slice %arg8[%add3A_105, %dma_start3A_116] : memref<40x128xi32, #tpu.memory_space<vmem>> -> memref<1x128xi32, #tpu.memory_space<vmem>>
        %dma_start3A_118 = tpu.memref_squeeze %dma_start3A_117 : memref<1x128xi32, #tpu.memory_space<vmem>> -> memref<128xi32, #tpu.memory_space<vmem>>
        %dma_start3A_119 = arith.constant 0 : i32
        %dma_start3A_120 = arith.constant 0 : i32
        %dma_start3A_121 = tpu.memref_slice %arg11[%dma_start3A_119, %dma_start3A_120] : memref<10240x128xf32, #tpu.memory_space<vmem_shared>> -> memref<10240x128xf32, #tpu.memory_space<vmem_shared>>
        tpu.enqueue_indirect_dma source(%arg10 : memref<128x128xf32, #tpu.memory_space<vmem>>) target(%dma_start3A_121 : memref<10240x128xf32, #tpu.memory_space<vmem_shared>>) offsets(%dma_start3A_118 : memref<128xi32, #tpu.memory_space<vmem>>) semaphore(%run_scoped3A_115 : memref<!tpu.dma_semaphore, #tpu.memory_space<semaphore_mem>>) {add = true}
        %dma_wait3A_122 = arith.constant 0 : i32
        %dma_wait3A_123 = tpu.memref_slice %arg8[%add3A_105, %dma_wait3A_122] : memref<40x128xi32, #tpu.memory_space<vmem>> -> memref<1x128xi32, #tpu.memory_space<vmem>>
        %dma_wait3A_124 = tpu.memref_squeeze %dma_wait3A_123 : memref<1x128xi32, #tpu.memory_space<vmem>> -> memref<128xi32, #tpu.memory_space<vmem>>
        %dma_wait3A_125 = arith.constant 0 : i32
        %dma_wait3A_126 = arith.constant 0 : i32
        %dma_wait3A_127 = tpu.memref_slice %arg11[%dma_wait3A_125, %dma_wait3A_126] : memref<10240x128xf32, #tpu.memory_space<vmem_shared>> -> memref<10240x128xf32, #tpu.memory_space<vmem_shared>>
        tpu.wait_indirect_dma semaphore(%run_scoped3A_115 : memref<!tpu.dma_semaphore, #tpu.memory_space<semaphore_mem>>) src(%arg10 : memref<128x128xf32, #tpu.memory_space<vmem>>) dst(%dma_wait3A_127 : memref<10240x128xf32, #tpu.memory_space<vmem_shared>>)
        tpu.yield
      }) : () -> ()
      %add3A_106 = arith.constant 3 : i32
      %add3A_107 = arith.addi %mul3A_81, %add3A_106 : i32
      %dma_start3A_108 = arith.constant 0 : i32
      %dma_start3A_109 = tpu.memref_slice %arg7[%add3A_107, %dma_start3A_108] : memref<40x128xi32, #tpu.memory_space<vmem>> -> memref<1x128xi32, #tpu.memory_space<vmem>>
      %dma_start3A_110 = tpu.memref_squeeze %dma_start3A_109 : memref<1x128xi32, #tpu.memory_space<vmem>> -> memref<128xi32, #tpu.memory_space<vmem>>
      %dma_start3A_111 = arith.constant 0 : i32
      %dma_start3A_112 = arith.constant 0 : i32
      %dma_start3A_113 = tpu.memref_slice %arg2[%dma_start3A_111, %dma_start3A_112] : memref<10240x128xf32, #tpu.memory_space<hbm>> -> memref<10240x128xf32, #tpu.memory_space<hbm>>
      tpu.enqueue_indirect_dma source(%dma_start3A_113 : memref<10240x128xf32, #tpu.memory_space<hbm>>) target(%arg10 : memref<128x128xf32, #tpu.memory_space<vmem>>) offsets(%dma_start3A_110 : memref<128xi32, #tpu.memory_space<vmem>>) semaphore(%arg13 : memref<!tpu.dma_semaphore, #tpu.memory_space<semaphore_mem>>)
      %scan3A_114 = arith.constant 0 : i32
      scf.yield %scan3A_114 : i32
    }
    %scan3A_21 = arith.constant 19 : i32
    %dma_wait3A = arith.constant 38 : i32
    %dma_wait3A_22 = arith.constant 0 : i32
    %dma_wait3A_23 = tpu.memref_slice %arg7[%dma_wait3A, %dma_wait3A_22] : memref<40x128xi32, #tpu.memory_space<vmem>> -> memref<1x128xi32, #tpu.memory_space<vmem>>
    %dma_wait3A_24 = tpu.memref_squeeze %dma_wait3A_23 : memref<1x128xi32, #tpu.memory_space<vmem>> -> memref<128xi32, #tpu.memory_space<vmem>>
    %dma_wait3A_25 = arith.constant 0 : i32
    %dma_wait3A_26 = arith.constant 0 : i32
    %dma_wait3A_27 = tpu.memref_slice %arg2[%dma_wait3A_25, %dma_wait3A_26] : memref<10240x128xf32, #tpu.memory_space<hbm>> -> memref<10240x128xf32, #tpu.memory_space<hbm>>
    tpu.wait_indirect_dma semaphore(%arg12 : memref<!tpu.dma_semaphore, #tpu.memory_space<semaphore_mem>>) src(%dma_wait3A_27 : memref<10240x128xf32, #tpu.memory_space<hbm>>) dst(%arg9 : memref<128x128xf32, #tpu.memory_space<vmem>>)
    %run_scoped3A = arith.constant 38 : i32
    "tpu.region"() ({
      %run_scoped3A_78 = tpu.sem_alloc : memref<!tpu.dma_semaphore, #tpu.memory_space<semaphore_mem>>
      %dma_start3A_79 = arith.constant 0 : i32
      %dma_start3A_80 = tpu.memref_slice %arg8[%run_scoped3A, %dma_start3A_79] : memref<40x128xi32, #tpu.memory_space<vmem>> -> memref<1x128xi32, #tpu.memory_space<vmem>>
      %dma_start3A_81 = tpu.memref_squeeze %dma_start3A_80 : memref<1x128xi32, #tpu.memory_space<vmem>> -> memref<128xi32, #tpu.memory_space<vmem>>
      %dma_start3A_82 = arith.constant 0 : i32
      %dma_start3A_83 = arith.constant 0 : i32
      %dma_start3A_84 = tpu.memref_slice %arg11[%dma_start3A_82, %dma_start3A_83] : memref<10240x128xf32, #tpu.memory_space<vmem_shared>> -> memref<10240x128xf32, #tpu.memory_space<vmem_shared>>
      tpu.enqueue_indirect_dma source(%arg9 : memref<128x128xf32, #tpu.memory_space<vmem>>) target(%dma_start3A_84 : memref<10240x128xf32, #tpu.memory_space<vmem_shared>>) offsets(%dma_start3A_81 : memref<128xi32, #tpu.memory_space<vmem>>) semaphore(%run_scoped3A_78 : memref<!tpu.dma_semaphore, #tpu.memory_space<semaphore_mem>>) {add = true}
      %dma_wait3A_85 = arith.constant 0 : i32
      %dma_wait3A_86 = tpu.memref_slice %arg8[%run_scoped3A, %dma_wait3A_85] : memref<40x128xi32, #tpu.memory_space<vmem>> -> memref<1x128xi32, #tpu.memory_space<vmem>>
      %dma_wait3A_87 = tpu.memref_squeeze %dma_wait3A_86 : memref<1x128xi32, #tpu.memory_space<vmem>> -> memref<128xi32, #tpu.memory_space<vmem>>
      %dma_wait3A_88 = arith.constant 0 : i32
      %dma_wait3A_89 = arith.constant 0 : i32
      %dma_wait3A_90 = tpu.memref_slice %arg11[%dma_wait3A_88, %dma_wait3A_89] : memref<10240x128xf32, #tpu.memory_space<vmem_shared>> -> memref<10240x128xf32, #tpu.memory_space<vmem_shared>>
      tpu.wait_indirect_dma semaphore(%run_scoped3A_78 : memref<!tpu.dma_semaphore, #tpu.memory_space<semaphore_mem>>) src(%arg9 : memref<128x128xf32, #tpu.memory_space<vmem>>) dst(%dma_wait3A_90 : memref<10240x128xf32, #tpu.memory_space<vmem_shared>>)
      tpu.yield
    }) : () -> ()
    %dma_wait3A_28 = arith.constant 39 : i32
    %dma_wait3A_29 = arith.constant 0 : i32
    %dma_wait3A_30 = tpu.memref_slice %arg7[%dma_wait3A_28, %dma_wait3A_29] : memref<40x128xi32, #tpu.memory_space<vmem>> -> memref<1x128xi32, #tpu.memory_space<vmem>>
    %dma_wait3A_31 = tpu.memref_squeeze %dma_wait3A_30 : memref<1x128xi32, #tpu.memory_space<vmem>> -> memref<128xi32, #tpu.memory_space<vmem>>
    %dma_wait3A_32 = arith.constant 0 : i32
    %dma_wait3A_33 = arith.constant 0 : i32
    %dma_wait3A_34 = tpu.memref_slice %arg2[%dma_wait3A_32, %dma_wait3A_33] : memref<10240x128xf32, #tpu.memory_space<hbm>> -> memref<10240x128xf32, #tpu.memory_space<hbm>>
    tpu.wait_indirect_dma semaphore(%arg13 : memref<!tpu.dma_semaphore, #tpu.memory_space<semaphore_mem>>) src(%dma_wait3A_34 : memref<10240x128xf32, #tpu.memory_space<hbm>>) dst(%arg10 : memref<128x128xf32, #tpu.memory_space<vmem>>)
    %run_scoped3A_35 = arith.constant 39 : i32
    "tpu.region"() ({
      %run_scoped3A_78 = tpu.sem_alloc : memref<!tpu.dma_semaphore, #tpu.memory_space<semaphore_mem>>
      %dma_start3A_79 = arith.constant 0 : i32
      %dma_start3A_80 = tpu.memref_slice %arg8[%run_scoped3A_35, %dma_start3A_79] : memref<40x128xi32, #tpu.memory_space<vmem>> -> memref<1x128xi32, #tpu.memory_space<vmem>>
      %dma_start3A_81 = tpu.memref_squeeze %dma_start3A_80 : memref<1x128xi32, #tpu.memory_space<vmem>> -> memref<128xi32, #tpu.memory_space<vmem>>
      %dma_start3A_82 = arith.constant 0 : i32
      %dma_start3A_83 = arith.constant 0 : i32
      %dma_start3A_84 = tpu.memref_slice %arg11[%dma_start3A_82, %dma_start3A_83] : memref<10240x128xf32, #tpu.memory_space<vmem_shared>> -> memref<10240x128xf32, #tpu.memory_space<vmem_shared>>
      tpu.enqueue_indirect_dma source(%arg10 : memref<128x128xf32, #tpu.memory_space<vmem>>) target(%dma_start3A_84 : memref<10240x128xf32, #tpu.memory_space<vmem_shared>>) offsets(%dma_start3A_81 : memref<128xi32, #tpu.memory_space<vmem>>) semaphore(%run_scoped3A_78 : memref<!tpu.dma_semaphore, #tpu.memory_space<semaphore_mem>>) {add = true}
      %dma_wait3A_85 = arith.constant 0 : i32
      %dma_wait3A_86 = tpu.memref_slice %arg8[%run_scoped3A_35, %dma_wait3A_85] : memref<40x128xi32, #tpu.memory_space<vmem>> -> memref<1x128xi32, #tpu.memory_space<vmem>>
      %dma_wait3A_87 = tpu.memref_squeeze %dma_wait3A_86 : memref<1x128xi32, #tpu.memory_space<vmem>> -> memref<128xi32, #tpu.memory_space<vmem>>
      %dma_wait3A_88 = arith.constant 0 : i32
      %dma_wait3A_89 = arith.constant 0 : i32
      %dma_wait3A_90 = tpu.memref_slice %arg11[%dma_wait3A_88, %dma_wait3A_89] : memref<10240x128xf32, #tpu.memory_space<vmem_shared>> -> memref<10240x128xf32, #tpu.memory_space<vmem_shared>>
      tpu.wait_indirect_dma semaphore(%run_scoped3A_78 : memref<!tpu.dma_semaphore, #tpu.memory_space<semaphore_mem>>) src(%arg10 : memref<128x128xf32, #tpu.memory_space<vmem>>) dst(%dma_wait3A_90 : memref<10240x128xf32, #tpu.memory_space<vmem_shared>>)
      tpu.yield
    }) : () -> ()
    "tpu.region"() ({
      %run_scoped3A_78 = tpu.sem_alloc : memref<!tpu.dma_semaphore, #tpu.memory_space<semaphore_mem>>
      %dma_start3A_79 = arith.constant 40 : i32
      %dma_start3A_80 = arith.constant 0 : i32
      %dma_start3A_81 = tpu.memref_slice %arg3[%add3A, %dma_start3A_79, %dma_start3A_80] : memref<32x80x128xi32, #tpu.memory_space<hbm>> -> memref<1x40x128xi32, #tpu.memory_space<hbm>>
      %dma_start3A_82 = tpu.memref_squeeze %dma_start3A_81 : memref<1x40x128xi32, #tpu.memory_space<hbm>> -> memref<40x128xi32, #tpu.memory_space<hbm>>
      %dma_start3A_83 = arith.constant 40 : i32
      %dma_start3A_84 = arith.constant 0 : i32
      %dma_start3A_85 = tpu.memref_slice %arg3[%add3A, %dma_start3A_83, %dma_start3A_84] : memref<32x80x128xi32, #tpu.memory_space<hbm>> -> memref<1x40x128xi32, #tpu.memory_space<hbm>>
      %dma_start3A_86 = tpu.memref_squeeze %dma_start3A_85 : memref<1x40x128xi32, #tpu.memory_space<hbm>> -> memref<40x128xi32, #tpu.memory_space<hbm>>
      tpu.enqueue_dma source(%dma_start3A_86 : memref<40x128xi32, #tpu.memory_space<hbm>>) target(%arg7 : memref<40x128xi32, #tpu.memory_space<vmem>>) target_semaphore(%run_scoped3A_78 : memref<!tpu.dma_semaphore, #tpu.memory_space<semaphore_mem>>)
      %dma_wait3A_87 = arith.constant 40 : i32
      %dma_wait3A_88 = arith.constant 0 : i32
      %dma_wait3A_89 = tpu.memref_slice %arg3[%add3A, %dma_wait3A_87, %dma_wait3A_88] : memref<32x80x128xi32, #tpu.memory_space<hbm>> -> memref<1x40x128xi32, #tpu.memory_space<hbm>>
      %dma_wait3A_90 = tpu.memref_squeeze %dma_wait3A_89 : memref<1x40x128xi32, #tpu.memory_space<hbm>> -> memref<40x128xi32, #tpu.memory_space<hbm>>
      %dma_wait3A_91 = arith.constant 40 : i32
      %dma_wait3A_92 = arith.constant 0 : i32
      %dma_wait3A_93 = tpu.memref_slice %arg3[%add3A, %dma_wait3A_91, %dma_wait3A_92] : memref<32x80x128xi32, #tpu.memory_space<hbm>> -> memref<1x40x128xi32, #tpu.memory_space<hbm>>
      %dma_wait3A_94 = tpu.memref_squeeze %dma_wait3A_93 : memref<1x40x128xi32, #tpu.memory_space<hbm>> -> memref<40x128xi32, #tpu.memory_space<hbm>>
      tpu.wait_dma2 semaphore(%run_scoped3A_78 : memref<!tpu.dma_semaphore, #tpu.memory_space<semaphore_mem>>) src(%dma_wait3A_94 : memref<40x128xi32, #tpu.memory_space<hbm>>) dst(%arg7 : memref<40x128xi32, #tpu.memory_space<vmem>>)
      tpu.yield
    }) : () -> ()
    "tpu.region"() ({
      %run_scoped3A_78 = tpu.sem_alloc : memref<!tpu.dma_semaphore, #tpu.memory_space<semaphore_mem>>
      %dma_start3A_79 = arith.constant 40 : i32
      %dma_start3A_80 = arith.constant 0 : i32
      %dma_start3A_81 = tpu.memref_slice %arg4[%add3A, %dma_start3A_79, %dma_start3A_80] : memref<32x80x128xi32, #tpu.memory_space<hbm>> -> memref<1x40x128xi32, #tpu.memory_space<hbm>>
      %dma_start3A_82 = tpu.memref_squeeze %dma_start3A_81 : memref<1x40x128xi32, #tpu.memory_space<hbm>> -> memref<40x128xi32, #tpu.memory_space<hbm>>
      %dma_start3A_83 = arith.constant 40 : i32
      %dma_start3A_84 = arith.constant 0 : i32
      %dma_start3A_85 = tpu.memref_slice %arg4[%add3A, %dma_start3A_83, %dma_start3A_84] : memref<32x80x128xi32, #tpu.memory_space<hbm>> -> memref<1x40x128xi32, #tpu.memory_space<hbm>>
      %dma_start3A_86 = tpu.memref_squeeze %dma_start3A_85 : memref<1x40x128xi32, #tpu.memory_space<hbm>> -> memref<40x128xi32, #tpu.memory_space<hbm>>
      tpu.enqueue_dma source(%dma_start3A_86 : memref<40x128xi32, #tpu.memory_space<hbm>>) target(%arg8 : memref<40x128xi32, #tpu.memory_space<vmem>>) target_semaphore(%run_scoped3A_78 : memref<!tpu.dma_semaphore, #tpu.memory_space<semaphore_mem>>)
      %dma_wait3A_87 = arith.constant 40 : i32
      %dma_wait3A_88 = arith.constant 0 : i32
      %dma_wait3A_89 = tpu.memref_slice %arg4[%add3A, %dma_wait3A_87, %dma_wait3A_88] : memref<32x80x128xi32, #tpu.memory_space<hbm>> -> memref<1x40x128xi32, #tpu.memory_space<hbm>>
      %dma_wait3A_90 = tpu.memref_squeeze %dma_wait3A_89 : memref<1x40x128xi32, #tpu.memory_space<hbm>> -> memref<40x128xi32, #tpu.memory_space<hbm>>
      %dma_wait3A_91 = arith.constant 40 : i32
      %dma_wait3A_92 = arith.constant 0 : i32
      %dma_wait3A_93 = tpu.memref_slice %arg4[%add3A, %dma_wait3A_91, %dma_wait3A_92] : memref<32x80x128xi32, #tpu.memory_space<hbm>> -> memref<1x40x128xi32, #tpu.memory_space<hbm>>
      %dma_wait3A_94 = tpu.memref_squeeze %dma_wait3A_93 : memref<1x40x128xi32, #tpu.memory_space<hbm>> -> memref<40x128xi32, #tpu.memory_space<hbm>>
      tpu.wait_dma2 semaphore(%run_scoped3A_78 : memref<!tpu.dma_semaphore, #tpu.memory_space<semaphore_mem>>) src(%dma_wait3A_94 : memref<40x128xi32, #tpu.memory_space<hbm>>) dst(%arg8 : memref<40x128xi32, #tpu.memory_space<vmem>>)
      tpu.yield
    }) : () -> ()
    %dma_start3A_36 = arith.constant 0 : i32
    %dma_start3A_37 = arith.constant 0 : i32
    %dma_start3A_38 = tpu.memref_slice %arg7[%dma_start3A_36, %dma_start3A_37] : memref<40x128xi32, #tpu.memory_space<vmem>> -> memref<1x128xi32, #tpu.memory_space<vmem>>
    %dma_start3A_39 = tpu.memref_squeeze %dma_start3A_38 : memref<1x128xi32, #tpu.memory_space<vmem>> -> memref<128xi32, #tpu.memory_space<vmem>>
    %dma_start3A_40 = arith.constant 0 : i32
    %dma_start3A_41 = arith.constant 0 : i32
    %dma_start3A_42 = tpu.memref_slice %arg2[%dma_start3A_40, %dma_start3A_41] : memref<10240x128xf32, #tpu.memory_space<hbm>> -> memref<10240x128xf32, #tpu.memory_space<hbm>>
    tpu.enqueue_indirect_dma source(%dma_start3A_42 : memref<10240x128xf32, #tpu.memory_space<hbm>>) target(%arg9 : memref<128x128xf32, #tpu.memory_space<vmem>>) offsets(%dma_start3A_39 : memref<128xi32, #tpu.memory_space<vmem>>) semaphore(%arg12 : memref<!tpu.dma_semaphore, #tpu.memory_space<semaphore_mem>>)
    %dma_start3A_43 = arith.constant 1 : i32
    %dma_start3A_44 = arith.constant 0 : i32
    %dma_start3A_45 = tpu.memref_slice %arg7[%dma_start3A_43, %dma_start3A_44] : memref<40x128xi32, #tpu.memory_space<vmem>> -> memref<1x128xi32, #tpu.memory_space<vmem>>
    %dma_start3A_46 = tpu.memref_squeeze %dma_start3A_45 : memref<1x128xi32, #tpu.memory_space<vmem>> -> memref<128xi32, #tpu.memory_space<vmem>>
    %dma_start3A_47 = arith.constant 0 : i32
    %dma_start3A_48 = arith.constant 0 : i32
    %dma_start3A_49 = tpu.memref_slice %arg2[%dma_start3A_47, %dma_start3A_48] : memref<10240x128xf32, #tpu.memory_space<hbm>> -> memref<10240x128xf32, #tpu.memory_space<hbm>>
    tpu.enqueue_indirect_dma source(%dma_start3A_49 : memref<10240x128xf32, #tpu.memory_space<hbm>>) target(%arg10 : memref<128x128xf32, #tpu.memory_space<vmem>>) offsets(%dma_start3A_46 : memref<128xi32, #tpu.memory_space<vmem>>) semaphore(%arg13 : memref<!tpu.dma_semaphore, #tpu.memory_space<semaphore_mem>>)
    %scan3A_50 = arith.constant 0 : i32
    %scan3A_51 = arith.constant 0 : i32
    %scan3A_52 = arith.constant 19 : i32
    %scan3A_53 = arith.addi %scan3A_51, %scan3A_52 : i32
    %scan3A_54 = arith.constant 1 : i32
    %scan3A_55 = scf.for %scan3A_78 = %scan3A_51 to %scan3A_53 step %scan3A_54 iter_args(%scan3A_79 = %scan3A_50) -> (i32)  : i32 {
      %mul3A_80 = arith.constant 2 : i32
      %mul3A_81 = arith.muli %mul3A_80, %scan3A_78 : i32
      %dma_wait3A_82 = arith.constant 0 : i32
      %dma_wait3A_83 = tpu.memref_slice %arg7[%mul3A_81, %dma_wait3A_82] : memref<40x128xi32, #tpu.memory_space<vmem>> -> memref<1x128xi32, #tpu.memory_space<vmem>>
      %dma_wait3A_84 = tpu.memref_squeeze %dma_wait3A_83 : memref<1x128xi32, #tpu.memory_space<vmem>> -> memref<128xi32, #tpu.memory_space<vmem>>
      %dma_wait3A_85 = arith.constant 0 : i32
      %dma_wait3A_86 = arith.constant 0 : i32
      %dma_wait3A_87 = tpu.memref_slice %arg2[%dma_wait3A_85, %dma_wait3A_86] : memref<10240x128xf32, #tpu.memory_space<hbm>> -> memref<10240x128xf32, #tpu.memory_space<hbm>>
      tpu.wait_indirect_dma semaphore(%arg12 : memref<!tpu.dma_semaphore, #tpu.memory_space<semaphore_mem>>) src(%dma_wait3A_87 : memref<10240x128xf32, #tpu.memory_space<hbm>>) dst(%arg9 : memref<128x128xf32, #tpu.memory_space<vmem>>)
      "tpu.region"() ({
        %run_scoped3A_115 = tpu.sem_alloc : memref<!tpu.dma_semaphore, #tpu.memory_space<semaphore_mem>>
        %dma_start3A_116 = arith.constant 0 : i32
        %dma_start3A_117 = tpu.memref_slice %arg8[%mul3A_81, %dma_start3A_116] : memref<40x128xi32, #tpu.memory_space<vmem>> -> memref<1x128xi32, #tpu.memory_space<vmem>>
        %dma_start3A_118 = tpu.memref_squeeze %dma_start3A_117 : memref<1x128xi32, #tpu.memory_space<vmem>> -> memref<128xi32, #tpu.memory_space<vmem>>
        %dma_start3A_119 = arith.constant 0 : i32
        %dma_start3A_120 = arith.constant 0 : i32
        %dma_start3A_121 = tpu.memref_slice %arg11[%dma_start3A_119, %dma_start3A_120] : memref<10240x128xf32, #tpu.memory_space<vmem_shared>> -> memref<10240x128xf32, #tpu.memory_space<vmem_shared>>
        tpu.enqueue_indirect_dma source(%arg9 : memref<128x128xf32, #tpu.memory_space<vmem>>) target(%dma_start3A_121 : memref<10240x128xf32, #tpu.memory_space<vmem_shared>>) offsets(%dma_start3A_118 : memref<128xi32, #tpu.memory_space<vmem>>) semaphore(%run_scoped3A_115 : memref<!tpu.dma_semaphore, #tpu.memory_space<semaphore_mem>>) {add = true}
        %dma_wait3A_122 = arith.constant 0 : i32
        %dma_wait3A_123 = tpu.memref_slice %arg8[%mul3A_81, %dma_wait3A_122] : memref<40x128xi32, #tpu.memory_space<vmem>> -> memref<1x128xi32, #tpu.memory_space<vmem>>
        %dma_wait3A_124 = tpu.memref_squeeze %dma_wait3A_123 : memref<1x128xi32, #tpu.memory_space<vmem>> -> memref<128xi32, #tpu.memory_space<vmem>>
        %dma_wait3A_125 = arith.constant 0 : i32
        %dma_wait3A_126 = arith.constant 0 : i32
        %dma_wait3A_127 = tpu.memref_slice %arg11[%dma_wait3A_125, %dma_wait3A_126] : memref<10240x128xf32, #tpu.memory_space<vmem_shared>> -> memref<10240x128xf32, #tpu.memory_space<vmem_shared>>
        tpu.wait_indirect_dma semaphore(%run_scoped3A_115 : memref<!tpu.dma_semaphore, #tpu.memory_space<semaphore_mem>>) src(%arg9 : memref<128x128xf32, #tpu.memory_space<vmem>>) dst(%dma_wait3A_127 : memref<10240x128xf32, #tpu.memory_space<vmem_shared>>)
        tpu.yield
      }) : () -> ()
      %add3A_88 = arith.constant 2 : i32
      %add3A_89 = arith.addi %mul3A_81, %add3A_88 : i32
      %dma_start3A_90 = arith.constant 0 : i32
      %dma_start3A_91 = tpu.memref_slice %arg7[%add3A_89, %dma_start3A_90] : memref<40x128xi32, #tpu.memory_space<vmem>> -> memref<1x128xi32, #tpu.memory_space<vmem>>
      %dma_start3A_92 = tpu.memref_squeeze %dma_start3A_91 : memref<1x128xi32, #tpu.memory_space<vmem>> -> memref<128xi32, #tpu.memory_space<vmem>>
      %dma_start3A_93 = arith.constant 0 : i32
      %dma_start3A_94 = arith.constant 0 : i32
      %dma_start3A_95 = tpu.memref_slice %arg2[%dma_start3A_93, %dma_start3A_94] : memref<10240x128xf32, #tpu.memory_space<hbm>> -> memref<10240x128xf32, #tpu.memory_space<hbm>>
      tpu.enqueue_indirect_dma source(%dma_start3A_95 : memref<10240x128xf32, #tpu.memory_space<hbm>>) target(%arg9 : memref<128x128xf32, #tpu.memory_space<vmem>>) offsets(%dma_start3A_92 : memref<128xi32, #tpu.memory_space<vmem>>) semaphore(%arg12 : memref<!tpu.dma_semaphore, #tpu.memory_space<semaphore_mem>>)
      %add3A_96 = arith.constant 1 : i32
      %add3A_97 = arith.addi %mul3A_81, %add3A_96 : i32
      %dma_wait3A_98 = arith.constant 0 : i32
      %dma_wait3A_99 = tpu.memref_slice %arg7[%add3A_97, %dma_wait3A_98] : memref<40x128xi32, #tpu.memory_space<vmem>> -> memref<1x128xi32, #tpu.memory_space<vmem>>
      %dma_wait3A_100 = tpu.memref_squeeze %dma_wait3A_99 : memref<1x128xi32, #tpu.memory_space<vmem>> -> memref<128xi32, #tpu.memory_space<vmem>>
      %dma_wait3A_101 = arith.constant 0 : i32
      %dma_wait3A_102 = arith.constant 0 : i32
      %dma_wait3A_103 = tpu.memref_slice %arg2[%dma_wait3A_101, %dma_wait3A_102] : memref<10240x128xf32, #tpu.memory_space<hbm>> -> memref<10240x128xf32, #tpu.memory_space<hbm>>
      tpu.wait_indirect_dma semaphore(%arg13 : memref<!tpu.dma_semaphore, #tpu.memory_space<semaphore_mem>>) src(%dma_wait3A_103 : memref<10240x128xf32, #tpu.memory_space<hbm>>) dst(%arg10 : memref<128x128xf32, #tpu.memory_space<vmem>>)
      %add3A_104 = arith.constant 1 : i32
      %add3A_105 = arith.addi %mul3A_81, %add3A_104 : i32
      "tpu.region"() ({
        %run_scoped3A_115 = tpu.sem_alloc : memref<!tpu.dma_semaphore, #tpu.memory_space<semaphore_mem>>
        %dma_start3A_116 = arith.constant 0 : i32
        %dma_start3A_117 = tpu.memref_slice %arg8[%add3A_105, %dma_start3A_116] : memref<40x128xi32, #tpu.memory_space<vmem>> -> memref<1x128xi32, #tpu.memory_space<vmem>>
        %dma_start3A_118 = tpu.memref_squeeze %dma_start3A_117 : memref<1x128xi32, #tpu.memory_space<vmem>> -> memref<128xi32, #tpu.memory_space<vmem>>
        %dma_start3A_119 = arith.constant 0 : i32
        %dma_start3A_120 = arith.constant 0 : i32
        %dma_start3A_121 = tpu.memref_slice %arg11[%dma_start3A_119, %dma_start3A_120] : memref<10240x128xf32, #tpu.memory_space<vmem_shared>> -> memref<10240x128xf32, #tpu.memory_space<vmem_shared>>
        tpu.enqueue_indirect_dma source(%arg10 : memref<128x128xf32, #tpu.memory_space<vmem>>) target(%dma_start3A_121 : memref<10240x128xf32, #tpu.memory_space<vmem_shared>>) offsets(%dma_start3A_118 : memref<128xi32, #tpu.memory_space<vmem>>) semaphore(%run_scoped3A_115 : memref<!tpu.dma_semaphore, #tpu.memory_space<semaphore_mem>>) {add = true}
        %dma_wait3A_122 = arith.constant 0 : i32
        %dma_wait3A_123 = tpu.memref_slice %arg8[%add3A_105, %dma_wait3A_122] : memref<40x128xi32, #tpu.memory_space<vmem>> -> memref<1x128xi32, #tpu.memory_space<vmem>>
        %dma_wait3A_124 = tpu.memref_squeeze %dma_wait3A_123 : memref<1x128xi32, #tpu.memory_space<vmem>> -> memref<128xi32, #tpu.memory_space<vmem>>
        %dma_wait3A_125 = arith.constant 0 : i32
        %dma_wait3A_126 = arith.constant 0 : i32
        %dma_wait3A_127 = tpu.memref_slice %arg11[%dma_wait3A_125, %dma_wait3A_126] : memref<10240x128xf32, #tpu.memory_space<vmem_shared>> -> memref<10240x128xf32, #tpu.memory_space<vmem_shared>>
        tpu.wait_indirect_dma semaphore(%run_scoped3A_115 : memref<!tpu.dma_semaphore, #tpu.memory_space<semaphore_mem>>) src(%arg10 : memref<128x128xf32, #tpu.memory_space<vmem>>) dst(%dma_wait3A_127 : memref<10240x128xf32, #tpu.memory_space<vmem_shared>>)
        tpu.yield
      }) : () -> ()
      %add3A_106 = arith.constant 3 : i32
      %add3A_107 = arith.addi %mul3A_81, %add3A_106 : i32
      %dma_start3A_108 = arith.constant 0 : i32
      %dma_start3A_109 = tpu.memref_slice %arg7[%add3A_107, %dma_start3A_108] : memref<40x128xi32, #tpu.memory_space<vmem>> -> memref<1x128xi32, #tpu.memory_space<vmem>>
      %dma_start3A_110 = tpu.memref_squeeze %dma_start3A_109 : memref<1x128xi32, #tpu.memory_space<vmem>> -> memref<128xi32, #tpu.memory_space<vmem>>
      %dma_start3A_111 = arith.constant 0 : i32
      %dma_start3A_112 = arith.constant 0 : i32
      %dma_start3A_113 = tpu.memref_slice %arg2[%dma_start3A_111, %dma_start3A_112] : memref<10240x128xf32, #tpu.memory_space<hbm>> -> memref<10240x128xf32, #tpu.memory_space<hbm>>
      tpu.enqueue_indirect_dma source(%dma_start3A_113 : memref<10240x128xf32, #tpu.memory_space<hbm>>) target(%arg10 : memref<128x128xf32, #tpu.memory_space<vmem>>) offsets(%dma_start3A_110 : memref<128xi32, #tpu.memory_space<vmem>>) semaphore(%arg13 : memref<!tpu.dma_semaphore, #tpu.memory_space<semaphore_mem>>)
      %scan3A_114 = arith.constant 0 : i32
      scf.yield %scan3A_114 : i32
    }
    %scan3A_56 = arith.constant 19 : i32
    %dma_wait3A_57 = arith.constant 38 : i32
    %dma_wait3A_58 = arith.constant 0 : i32
    %dma_wait3A_59 = tpu.memref_slice %arg7[%dma_wait3A_57, %dma_wait3A_58] : memref<40x128xi32, #tpu.memory_space<vmem>> -> memref<1x128xi32, #tpu.memory_space<vmem>>
    %dma_wait3A_60 = tpu.memref_squeeze %dma_wait3A_59 : memref<1x128xi32, #tpu.memory_space<vmem>> -> memref<128xi32, #tpu.memory_space<vmem>>
    %dma_wait3A_61 = arith.constant 0 : i32
    %dma_wait3A_62 = arith.constant 0 : i32
    %dma_wait3A_63 = tpu.memref_slice %arg2[%dma_wait3A_61, %dma_wait3A_62] : memref<10240x128xf32, #tpu.memory_space<hbm>> -> memref<10240x128xf32, #tpu.memory_space<hbm>>
    tpu.wait_indirect_dma semaphore(%arg12 : memref<!tpu.dma_semaphore, #tpu.memory_space<semaphore_mem>>) src(%dma_wait3A_63 : memref<10240x128xf32, #tpu.memory_space<hbm>>) dst(%arg9 : memref<128x128xf32, #tpu.memory_space<vmem>>)
    %run_scoped3A_64 = arith.constant 38 : i32
    "tpu.region"() ({
      %run_scoped3A_78 = tpu.sem_alloc : memref<!tpu.dma_semaphore, #tpu.memory_space<semaphore_mem>>
      %dma_start3A_79 = arith.constant 0 : i32
      %dma_start3A_80 = tpu.memref_slice %arg8[%run_scoped3A_64, %dma_start3A_79] : memref<40x128xi32, #tpu.memory_space<vmem>> -> memref<1x128xi32, #tpu.memory_space<vmem>>
      %dma_start3A_81 = tpu.memref_squeeze %dma_start3A_80 : memref<1x128xi32, #tpu.memory_space<vmem>> -> memref<128xi32, #tpu.memory_space<vmem>>
      %dma_start3A_82 = arith.constant 0 : i32
      %dma_start3A_83 = arith.constant 0 : i32
      %dma_start3A_84 = tpu.memref_slice %arg11[%dma_start3A_82, %dma_start3A_83] : memref<10240x128xf32, #tpu.memory_space<vmem_shared>> -> memref<10240x128xf32, #tpu.memory_space<vmem_shared>>
      tpu.enqueue_indirect_dma source(%arg9 : memref<128x128xf32, #tpu.memory_space<vmem>>) target(%dma_start3A_84 : memref<10240x128xf32, #tpu.memory_space<vmem_shared>>) offsets(%dma_start3A_81 : memref<128xi32, #tpu.memory_space<vmem>>) semaphore(%run_scoped3A_78 : memref<!tpu.dma_semaphore, #tpu.memory_space<semaphore_mem>>) {add = true}
      %dma_wait3A_85 = arith.constant 0 : i32
      %dma_wait3A_86 = tpu.memref_slice %arg8[%run_scoped3A_64, %dma_wait3A_85] : memref<40x128xi32, #tpu.memory_space<vmem>> -> memref<1x128xi32, #tpu.memory_space<vmem>>
      %dma_wait3A_87 = tpu.memref_squeeze %dma_wait3A_86 : memref<1x128xi32, #tpu.memory_space<vmem>> -> memref<128xi32, #tpu.memory_space<vmem>>
      %dma_wait3A_88 = arith.constant 0 : i32
      %dma_wait3A_89 = arith.constant 0 : i32
      %dma_wait3A_90 = tpu.memref_slice %arg11[%dma_wait3A_88, %dma_wait3A_89] : memref<10240x128xf32, #tpu.memory_space<vmem_shared>> -> memref<10240x128xf32, #tpu.memory_space<vmem_shared>>
      tpu.wait_indirect_dma semaphore(%run_scoped3A_78 : memref<!tpu.dma_semaphore, #tpu.memory_space<semaphore_mem>>) src(%arg9 : memref<128x128xf32, #tpu.memory_space<vmem>>) dst(%dma_wait3A_90 : memref<10240x128xf32, #tpu.memory_space<vmem_shared>>)
      tpu.yield
    }) : () -> ()
    %dma_wait3A_65 = arith.constant 39 : i32
    %dma_wait3A_66 = arith.constant 0 : i32
    %dma_wait3A_67 = tpu.memref_slice %arg7[%dma_wait3A_65, %dma_wait3A_66] : memref<40x128xi32, #tpu.memory_space<vmem>> -> memref<1x128xi32, #tpu.memory_space<vmem>>
    %dma_wait3A_68 = tpu.memref_squeeze %dma_wait3A_67 : memref<1x128xi32, #tpu.memory_space<vmem>> -> memref<128xi32, #tpu.memory_space<vmem>>
    %dma_wait3A_69 = arith.constant 0 : i32
    %dma_wait3A_70 = arith.constant 0 : i32
    %dma_wait3A_71 = tpu.memref_slice %arg2[%dma_wait3A_69, %dma_wait3A_70] : memref<10240x128xf32, #tpu.memory_space<hbm>> -> memref<10240x128xf32, #tpu.memory_space<hbm>>
    tpu.wait_indirect_dma semaphore(%arg13 : memref<!tpu.dma_semaphore, #tpu.memory_space<semaphore_mem>>) src(%dma_wait3A_71 : memref<10240x128xf32, #tpu.memory_space<hbm>>) dst(%arg10 : memref<128x128xf32, #tpu.memory_space<vmem>>)
    %run_scoped3A_72 = arith.constant 39 : i32
    "tpu.region"() ({
      %run_scoped3A_78 = tpu.sem_alloc : memref<!tpu.dma_semaphore, #tpu.memory_space<semaphore_mem>>
      %dma_start3A_79 = arith.constant 0 : i32
      %dma_start3A_80 = tpu.memref_slice %arg8[%run_scoped3A_72, %dma_start3A_79] : memref<40x128xi32, #tpu.memory_space<vmem>> -> memref<1x128xi32, #tpu.memory_space<vmem>>
      %dma_start3A_81 = tpu.memref_squeeze %dma_start3A_80 : memref<1x128xi32, #tpu.memory_space<vmem>> -> memref<128xi32, #tpu.memory_space<vmem>>
      %dma_start3A_82 = arith.constant 0 : i32
      %dma_start3A_83 = arith.constant 0 : i32
      %dma_start3A_84 = tpu.memref_slice %arg11[%dma_start3A_82, %dma_start3A_83] : memref<10240x128xf32, #tpu.memory_space<vmem_shared>> -> memref<10240x128xf32, #tpu.memory_space<vmem_shared>>
      tpu.enqueue_indirect_dma source(%arg10 : memref<128x128xf32, #tpu.memory_space<vmem>>) target(%dma_start3A_84 : memref<10240x128xf32, #tpu.memory_space<vmem_shared>>) offsets(%dma_start3A_81 : memref<128xi32, #tpu.memory_space<vmem>>) semaphore(%run_scoped3A_78 : memref<!tpu.dma_semaphore, #tpu.memory_space<semaphore_mem>>) {add = true}
      %dma_wait3A_85 = arith.constant 0 : i32
      %dma_wait3A_86 = tpu.memref_slice %arg8[%run_scoped3A_72, %dma_wait3A_85] : memref<40x128xi32, #tpu.memory_space<vmem>> -> memref<1x128xi32, #tpu.memory_space<vmem>>
      %dma_wait3A_87 = tpu.memref_squeeze %dma_wait3A_86 : memref<1x128xi32, #tpu.memory_space<vmem>> -> memref<128xi32, #tpu.memory_space<vmem>>
      %dma_wait3A_88 = arith.constant 0 : i32
      %dma_wait3A_89 = arith.constant 0 : i32
      %dma_wait3A_90 = tpu.memref_slice %arg11[%dma_wait3A_88, %dma_wait3A_89] : memref<10240x128xf32, #tpu.memory_space<vmem_shared>> -> memref<10240x128xf32, #tpu.memory_space<vmem_shared>>
      tpu.wait_indirect_dma semaphore(%run_scoped3A_78 : memref<!tpu.dma_semaphore, #tpu.memory_space<semaphore_mem>>) src(%arg10 : memref<128x128xf32, #tpu.memory_space<vmem>>) dst(%dma_wait3A_90 : memref<10240x128xf32, #tpu.memory_space<vmem_shared>>)
      tpu.yield
    }) : () -> ()
    %barrier3A_73 = arith.constant 0 : index
    tpu.barrier barrier_id(%barrier3A_73)
    %mul3A_74 = arith.constant 640 : i32
    %mul3A_75 = arith.muli %arg1, %mul3A_74 : i32
    %mul3A_76 = arith.constant 640 : i32
    %mul3A_77 = arith.muli %arg1, %mul3A_76 : i32
    "tpu.region"() ({
      %run_scoped3A_78 = tpu.sem_alloc : memref<!tpu.dma_semaphore, #tpu.memory_space<semaphore_mem>>
      %dma_start3A_79 = arith.constant 0 : i32
      %dma_start3A_80 = tpu.memref_slice %arg6[%arg0, %mul3A_77, %dma_start3A_79] : memref<2x10240x128xf32, #tpu.memory_space<hbm>> -> memref<1x640x128xf32, #tpu.memory_space<hbm>>
      %dma_start3A_81 = tpu.memref_squeeze %dma_start3A_80 : memref<1x640x128xf32, #tpu.memory_space<hbm>> -> memref<640x128xf32, #tpu.memory_space<hbm>>
      %dma_start3A_82 = arith.constant 0 : i32
      %dma_start3A_83 = tpu.memref_slice %arg11[%mul3A_75, %dma_start3A_82] : memref<10240x128xf32, #tpu.memory_space<vmem_shared>> -> memref<640x128xf32, #tpu.memory_space<vmem_shared>>
      tpu.enqueue_dma source(%dma_start3A_83 : memref<640x128xf32, #tpu.memory_space<vmem_shared>>) target(%dma_start3A_81 : memref<640x128xf32, #tpu.memory_space<hbm>>) target_semaphore(%run_scoped3A_78 : memref<!tpu.dma_semaphore, #tpu.memory_space<semaphore_mem>>)
      %dma_wait3A_84 = arith.constant 0 : i32
      %dma_wait3A_85 = tpu.memref_slice %arg6[%arg0, %mul3A_77, %dma_wait3A_84] : memref<2x10240x128xf32, #tpu.memory_space<hbm>> -> memref<1x640x128xf32, #tpu.memory_space<hbm>>
      %dma_wait3A_86 = tpu.memref_squeeze %dma_wait3A_85 : memref<1x640x128xf32, #tpu.memory_space<hbm>> -> memref<640x128xf32, #tpu.memory_space<hbm>>
      %dma_wait3A_87 = arith.constant 0 : i32
      %dma_wait3A_88 = tpu.memref_slice %arg11[%mul3A_75, %dma_wait3A_87] : memref<10240x128xf32, #tpu.memory_space<vmem_shared>> -> memref<640x128xf32, #tpu.memory_space<vmem_shared>>
      tpu.wait_dma2 semaphore(%run_scoped3A_78 : memref<!tpu.dma_semaphore, #tpu.memory_space<semaphore_mem>>) src(%dma_wait3A_88 : memref<640x128xf32, #tpu.memory_space<vmem_shared>>) dst(%dma_wait3A_86 : memref<640x128xf32, #tpu.memory_space<hbm>>)
      tpu.yield
    }) : () -> ()
    return
  }
}

module attributes {stable_mosaic.version = 14 : i64} {
  func.func @_tc1_body(%arg0: i32, %arg1: memref<2560x128xf32, #tpu.memory_space<vmem>>, %arg2: memref<2560x128xf32, #tpu.memory_space<vmem>>, %arg3: memref<2560x128xf32, #tpu.memory_space<vmem>>, %arg4: memref<128x128xf32, #tpu.memory_space<vmem>>, %arg5: memref<1x128xf32, #tpu.memory_space<vmem>>, %arg6: memref<128x128xf32, #tpu.memory_space<vmem>>, %arg7: memref<2560x128xf32, #tpu.memory_space<vmem>>, %arg8: memref<2560x128xf32, #tpu.memory_space<vmem>>) attributes {dimension_semantics = [#tpu.dimension_semantics<arbitrary>], iteration_bounds = array<i64: 4>, scalar_prefetch = 0 : i64, scratch_operands = 0 : i64, tpu.core_type = #tpu.core_type<tc>, window_params = [{transform_indices = @transform_0, window_bounds = array<i64: 2560, 128>}, {transform_indices = @transform_1, window_bounds = array<i64: 2560, 128>}, {transform_indices = @transform_2, window_bounds = array<i64: 2560, 128>}, {pipeline_mode = #tpu.pipeline_mode<synchronous>, transform_indices = @transform_3, window_bounds = array<i64: 128, 128>}, {pipeline_mode = #tpu.pipeline_mode<synchronous>, transform_indices = @transform_4, window_bounds = array<i64: 1, 128>}, {pipeline_mode = #tpu.pipeline_mode<synchronous>, transform_indices = @transform_5, window_bounds = array<i64: 128, 128>}, {transform_indices = @transform_6, window_bounds = array<i64: 2560, 128>}, {transform_indices = @transform_7, window_bounds = array<i64: 2560, 128>}]} {
    %get3A = arith.constant 0 : index
    %get3A_0 = arith.constant 0 : index
    %get3A_1 = vector.load %arg1[%get3A, %get3A_0] : memref<2560x128xf32, #tpu.memory_space<vmem>>, vector<2560x128xf32>
    %get3A_2 = arith.constant 0 : index
    %get3A_3 = arith.constant 0 : index
    %get3A_4 = vector.load %arg2[%get3A_2, %get3A_3] : memref<2560x128xf32, #tpu.memory_space<vmem>>, vector<2560x128xf32>
    %add3A = arith.addf %get3A_1, %get3A_4 : vector<2560x128xf32>
    %add3A_5 = arith.constant 1.000000e+00 : f32
    %add3A_6 = vector.broadcast %add3A_5 : f32 to vector<2560x128xf32>
    %add3A_7 = arith.addf %add3A, %add3A_6 : vector<2560x128xf32>
    %rsqrt3A = math.rsqrt %add3A_7 : vector<2560x128xf32>
    %get3A_8 = arith.constant 0 : index
    %get3A_9 = arith.constant 0 : index
    %get3A_10 = vector.load %arg3[%get3A_8, %get3A_9] : memref<2560x128xf32, #tpu.memory_space<vmem>>, vector<2560x128xf32>
    %get3A_11 = arith.constant 0 : index
    %get3A_12 = arith.constant 0 : index
    %get3A_13 = vector.load %arg4[%get3A_11, %get3A_12] : memref<128x128xf32, #tpu.memory_space<vmem>>, vector<128x128xf32>
    %dot_general3A = arith.constant dense<0.000000e+00> : vector<2560x128xf32>
    %dot_general3A_14 = tpu.matmul %get3A_10, %get3A_13, %dot_general3A {dimension_numbers = #tpu.dot_dimension_numbers<[1], [0], [0], [1], [0, 0, 1, 1], [], []>, transpose_lhs_hint = false} : vector<2560x128xf32>, vector<128x128xf32>, vector<2560x128xf32> -> vector<2560x128xf32>
    %get3A_15 = arith.constant 0 : index
    %get3A_16 = arith.constant 0 : index
    %get3A_17 = vector.load %arg5[%get3A_15, %get3A_16] : memref<1x128xf32, #tpu.memory_space<vmem>>, vector<1x128xf32>
    %add3A_18 = vector.broadcast %get3A_17 : vector<1x128xf32> to vector<2560x128xf32>
    %add3A_19 = arith.addf %dot_general3A_14, %add3A_18 : vector<2560x128xf32>
    %get3A_20 = arith.constant 0 : index
    %get3A_21 = arith.constant 0 : index
    %get3A_22 = vector.load %arg6[%get3A_20, %get3A_21] : memref<128x128xf32, #tpu.memory_space<vmem>>, vector<128x128xf32>
    %dot_general3A_23 = arith.constant dense<0.000000e+00> : vector<2560x128xf32>
    %dot_general3A_24 = tpu.matmul %add3A_19, %get3A_22, %dot_general3A_23 {dimension_numbers = #tpu.dot_dimension_numbers<[1], [0], [0], [1], [0, 0, 1, 1], [], []>, transpose_lhs_hint = false} : vector<2560x128xf32>, vector<128x128xf32>, vector<2560x128xf32> -> vector<2560x128xf32>
    %mul3A = arith.mulf %rsqrt3A, %dot_general3A_24 : vector<2560x128xf32>
    %swap3A = arith.constant 0 : index
    %swap3A_25 = arith.constant 0 : index
    %swap3A_26 = vector.load %arg7[%swap3A, %swap3A_25] : memref<2560x128xf32, #tpu.memory_space<vmem>>, vector<2560x128xf32>
    tpu.vector_store %arg7[%swap3A, %swap3A_25], %mul3A {strides = array<i32>} : memref<2560x128xf32, #tpu.memory_space<vmem>>, vector<2560x128xf32>,
    %swap3A_27 = arith.constant 0 : index
    %swap3A_28 = arith.constant 0 : index
    %swap3A_29 = vector.load %arg8[%swap3A_27, %swap3A_28] : memref<2560x128xf32, #tpu.memory_space<vmem>>, vector<2560x128xf32>
    tpu.vector_store %arg8[%swap3A_27, %swap3A_28], %rsqrt3A {strides = array<i32>} : memref<2560x128xf32, #tpu.memory_space<vmem>>, vector<2560x128xf32>,
    return
  }
  func.func @transform_0(%arg0: i32) -> (i32, i32) {
    %c0_i32 = arith.constant 0 : i32
    %c0_i32_0 = arith.constant 0 : i32
    return %arg0, %c0_i32 : i32, i32
  }
  func.func @transform_1(%arg0: i32) -> (i32, i32) {
    %c0_i32 = arith.constant 0 : i32
    %c0_i32_0 = arith.constant 0 : i32
    return %arg0, %c0_i32 : i32, i32
  }
  func.func @transform_2(%arg0: i32) -> (i32, i32) {
    %c0_i32 = arith.constant 0 : i32
    %c0_i32_0 = arith.constant 0 : i32
    return %arg0, %c0_i32 : i32, i32
  }
  func.func @transform_3(%arg0: i32) -> (i32, i32) {
    %c0_i32 = arith.constant 0 : i32
    %c0_i32_0 = arith.constant 0 : i32
    %c0_i32_1 = arith.constant 0 : i32
    return %c0_i32, %c0_i32_0 : i32, i32
  }
  func.func @transform_4(%arg0: i32) -> (i32, i32) {
    %c0_i32 = arith.constant 0 : i32
    %c0_i32_0 = arith.constant 0 : i32
    %c0_i32_1 = arith.constant 0 : i32
    return %c0_i32, %c0_i32_0 : i32, i32
  }
  func.func @transform_5(%arg0: i32) -> (i32, i32) {
    %c0_i32 = arith.constant 0 : i32
    %c0_i32_0 = arith.constant 0 : i32
    %c0_i32_1 = arith.constant 0 : i32
    return %c0_i32, %c0_i32_0 : i32, i32
  }
  func.func @transform_6(%arg0: i32) -> (i32, i32) {
    %c0_i32 = arith.constant 0 : i32
    %c0_i32_0 = arith.constant 0 : i32
    return %arg0, %c0_i32 : i32, i32
  }
  func.func @transform_7(%arg0: i32) -> (i32, i32) {
    %c0_i32 = arith.constant 0 : i32
    %c0_i32_0 = arith.constant 0 : i32
    return %arg0, %c0_i32 : i32, i32
  }
}

module attributes {stable_mosaic.version = 14 : i64} {
  func.func @_tc2_body(%arg0: i32, %arg1: memref<2560x128xf32, #tpu.memory_space<vmem>>, %arg2: memref<2560x128xf32, #tpu.memory_space<vmem>>, %arg3: memref<2560x128xf32, #tpu.memory_space<vmem>>, %arg4: memref<2560x128xf32, #tpu.memory_space<vmem>>, %arg5: memref<1x128xf32, #tpu.memory_space<vmem>>, %arg6: memref<128x128xf32, #tpu.memory_space<vmem>>, %arg7: memref<2560x128xf32, #tpu.memory_space<vmem>>) attributes {dimension_semantics = [#tpu.dimension_semantics<arbitrary>], iteration_bounds = array<i64: 4>, scalar_prefetch = 0 : i64, scratch_operands = 0 : i64, tpu.core_type = #tpu.core_type<tc>, window_params = [{transform_indices = @transform_0, window_bounds = array<i64: 2560, 128>}, {transform_indices = @transform_1, window_bounds = array<i64: 2560, 128>}, {transform_indices = @transform_2, window_bounds = array<i64: 2560, 128>}, {transform_indices = @transform_3, window_bounds = array<i64: 2560, 128>}, {pipeline_mode = #tpu.pipeline_mode<synchronous>, transform_indices = @transform_4, window_bounds = array<i64: 1, 128>}, {pipeline_mode = #tpu.pipeline_mode<synchronous>, transform_indices = @transform_5, window_bounds = array<i64: 128, 128>}, {transform_indices = @transform_6, window_bounds = array<i64: 2560, 128>}]} {
    %get3A = arith.constant 0 : index
    %get3A_0 = arith.constant 0 : index
    %get3A_1 = vector.load %arg4[%get3A, %get3A_0] : memref<2560x128xf32, #tpu.memory_space<vmem>>, vector<2560x128xf32>
    %get3A_2 = arith.constant 0 : index
    %get3A_3 = arith.constant 0 : index
    %get3A_4 = vector.load %arg1[%get3A_2, %get3A_3] : memref<2560x128xf32, #tpu.memory_space<vmem>>, vector<2560x128xf32>
    %get3A_5 = arith.constant 0 : index
    %get3A_6 = arith.constant 0 : index
    %get3A_7 = vector.load %arg2[%get3A_5, %get3A_6] : memref<2560x128xf32, #tpu.memory_space<vmem>>, vector<2560x128xf32>
    %add3A = arith.addf %get3A_4, %get3A_7 : vector<2560x128xf32>
    %get3A_8 = arith.constant 0 : index
    %get3A_9 = arith.constant 0 : index
    %get3A_10 = vector.load %arg3[%get3A_8, %get3A_9] : memref<2560x128xf32, #tpu.memory_space<vmem>>, vector<2560x128xf32>
    %add3A_11 = arith.addf %add3A, %get3A_10 : vector<2560x128xf32>
    %mul3A = arith.mulf %get3A_1, %add3A_11 : vector<2560x128xf32>
    %get3A_12 = arith.constant 0 : index
    %get3A_13 = arith.constant 0 : index
    %get3A_14 = vector.load %arg5[%get3A_12, %get3A_13] : memref<1x128xf32, #tpu.memory_space<vmem>>, vector<1x128xf32>
    %add3A_15 = vector.broadcast %get3A_14 : vector<1x128xf32> to vector<2560x128xf32>
    %add3A_16 = arith.addf %mul3A, %add3A_15 : vector<2560x128xf32>
    %max3A = arith.constant 0.000000e+00 : f32
    %max3A_17 = vector.broadcast %max3A : f32 to vector<2560x128xf32>
    %max3A_18 = arith.maximumf %add3A_16, %max3A_17 : vector<2560x128xf32>
    %get3A_19 = arith.constant 0 : index
    %get3A_20 = arith.constant 0 : index
    %get3A_21 = vector.load %arg4[%get3A_19, %get3A_20] : memref<2560x128xf32, #tpu.memory_space<vmem>>, vector<2560x128xf32>
    %get3A_22 = arith.constant 0 : index
    %get3A_23 = arith.constant 0 : index
    %get3A_24 = vector.load %arg6[%get3A_22, %get3A_23] : memref<128x128xf32, #tpu.memory_space<vmem>>, vector<128x128xf32>
    %dot_general3A = arith.constant dense<0.000000e+00> : vector<2560x128xf32>
    %dot_general3A_25 = tpu.matmul %max3A_18, %get3A_24, %dot_general3A {dimension_numbers = #tpu.dot_dimension_numbers<[1], [0], [0], [1], [0, 0, 1, 1], [], []>, transpose_lhs_hint = false} : vector<2560x128xf32>, vector<128x128xf32>, vector<2560x128xf32> -> vector<2560x128xf32>
    %mul3A_26 = arith.mulf %get3A_21, %dot_general3A_25 : vector<2560x128xf32>
    %swap3A = arith.constant 0 : index
    %swap3A_27 = arith.constant 0 : index
    %swap3A_28 = vector.load %arg7[%swap3A, %swap3A_27] : memref<2560x128xf32, #tpu.memory_space<vmem>>, vector<2560x128xf32>
    tpu.vector_store %arg7[%swap3A, %swap3A_27], %mul3A_26 {strides = array<i32>} : memref<2560x128xf32, #tpu.memory_space<vmem>>, vector<2560x128xf32>,
    return
  }
  func.func @transform_0(%arg0: i32) -> (i32, i32) {
    %c0_i32 = arith.constant 0 : i32
    %c0_i32_0 = arith.constant 0 : i32
    return %arg0, %c0_i32 : i32, i32
  }
  func.func @transform_1(%arg0: i32) -> (i32, i32) {
    %c0_i32 = arith.constant 0 : i32
    %c0_i32_0 = arith.constant 0 : i32
    return %arg0, %c0_i32 : i32, i32
  }
  func.func @transform_2(%arg0: i32) -> (i32, i32) {
    %c0_i32 = arith.constant 0 : i32
    %c0_i32_0 = arith.constant 0 : i32
    return %arg0, %c0_i32 : i32, i32
  }
  func.func @transform_3(%arg0: i32) -> (i32, i32) {
    %c0_i32 = arith.constant 0 : i32
    %c0_i32_0 = arith.constant 0 : i32
    return %arg0, %c0_i32 : i32, i32
  }
  func.func @transform_4(%arg0: i32) -> (i32, i32) {
    %c0_i32 = arith.constant 0 : i32
    %c0_i32_0 = arith.constant 0 : i32
    %c0_i32_1 = arith.constant 0 : i32
    return %c0_i32, %c0_i32_0 : i32, i32
  }
  func.func @transform_5(%arg0: i32) -> (i32, i32) {
    %c0_i32 = arith.constant 0 : i32
    %c0_i32_0 = arith.constant 0 : i32
    %c0_i32_1 = arith.constant 0 : i32
    return %c0_i32, %c0_i32_0 : i32, i32
  }
  func.func @transform_6(%arg0: i32) -> (i32, i32) {
    %c0_i32 = arith.constant 0 : i32
    %c0_i32_0 = arith.constant 0 : i32
    return %arg0, %c0_i32 : i32, i32
  }
}

module attributes {stable_mosaic.version = 14 : i64} {
  func.func @_tc3_body(%arg0: i32, %arg1: memref<2560x128xf32, #tpu.memory_space<vmem>>, %arg2: memref<2560x128xf32, #tpu.memory_space<vmem>>, %arg3: memref<2560x128xf32, #tpu.memory_space<vmem>>, %arg4: memref<2560x128xf32, #tpu.memory_space<vmem>>, %arg5: memref<1x128xf32, #tpu.memory_space<vmem>>, %arg6: memref<2560x128xf32, #tpu.memory_space<vmem>>) attributes {dimension_semantics = [#tpu.dimension_semantics<arbitrary>], iteration_bounds = array<i64: 4>, scalar_prefetch = 0 : i64, scratch_operands = 0 : i64, tpu.core_type = #tpu.core_type<tc>, window_params = [{transform_indices = @transform_0, window_bounds = array<i64: 2560, 128>}, {transform_indices = @transform_1, window_bounds = array<i64: 2560, 128>}, {transform_indices = @transform_2, window_bounds = array<i64: 2560, 128>}, {transform_indices = @transform_3, window_bounds = array<i64: 2560, 128>}, {pipeline_mode = #tpu.pipeline_mode<synchronous>, transform_indices = @transform_4, window_bounds = array<i64: 1, 128>}, {transform_indices = @transform_5, window_bounds = array<i64: 2560, 128>}]} {
    %get3A = arith.constant 0 : index
    %get3A_0 = arith.constant 0 : index
    %get3A_1 = vector.load %arg4[%get3A, %get3A_0] : memref<2560x128xf32, #tpu.memory_space<vmem>>, vector<2560x128xf32>
    %get3A_2 = arith.constant 0 : index
    %get3A_3 = arith.constant 0 : index
    %get3A_4 = vector.load %arg1[%get3A_2, %get3A_3] : memref<2560x128xf32, #tpu.memory_space<vmem>>, vector<2560x128xf32>
    %get3A_5 = arith.constant 0 : index
    %get3A_6 = arith.constant 0 : index
    %get3A_7 = vector.load %arg2[%get3A_5, %get3A_6] : memref<2560x128xf32, #tpu.memory_space<vmem>>, vector<2560x128xf32>
    %add3A = arith.addf %get3A_4, %get3A_7 : vector<2560x128xf32>
    %get3A_8 = arith.constant 0 : index
    %get3A_9 = arith.constant 0 : index
    %get3A_10 = vector.load %arg3[%get3A_8, %get3A_9] : memref<2560x128xf32, #tpu.memory_space<vmem>>, vector<2560x128xf32>
    %add3A_11 = arith.addf %add3A, %get3A_10 : vector<2560x128xf32>
    %mul3A = arith.mulf %get3A_1, %add3A_11 : vector<2560x128xf32>
    %get3A_12 = arith.constant 0 : index
    %get3A_13 = arith.constant 0 : index
    %get3A_14 = vector.load %arg5[%get3A_12, %get3A_13] : memref<1x128xf32, #tpu.memory_space<vmem>>, vector<1x128xf32>
    %add3A_15 = vector.broadcast %get3A_14 : vector<1x128xf32> to vector<2560x128xf32>
    %add3A_16 = arith.addf %mul3A, %add3A_15 : vector<2560x128xf32>
    %swap3A = arith.constant 0 : index
    %swap3A_17 = arith.constant 0 : index
    %swap3A_18 = vector.load %arg6[%swap3A, %swap3A_17] : memref<2560x128xf32, #tpu.memory_space<vmem>>, vector<2560x128xf32>
    tpu.vector_store %arg6[%swap3A, %swap3A_17], %add3A_16 {strides = array<i32>} : memref<2560x128xf32, #tpu.memory_space<vmem>>, vector<2560x128xf32>,
    return
  }
  func.func @transform_0(%arg0: i32) -> (i32, i32) {
    %c0_i32 = arith.constant 0 : i32
    %c0_i32_0 = arith.constant 0 : i32
    return %arg0, %c0_i32 : i32, i32
  }
  func.func @transform_1(%arg0: i32) -> (i32, i32) {
    %c0_i32 = arith.constant 0 : i32
    %c0_i32_0 = arith.constant 0 : i32
    return %arg0, %c0_i32 : i32, i32
  }
  func.func @transform_2(%arg0: i32) -> (i32, i32) {
    %c0_i32 = arith.constant 0 : i32
    %c0_i32_0 = arith.constant 0 : i32
    return %arg0, %c0_i32 : i32, i32
  }
  func.func @transform_3(%arg0: i32) -> (i32, i32) {
    %c0_i32 = arith.constant 0 : i32
    %c0_i32_0 = arith.constant 0 : i32
    return %arg0, %c0_i32 : i32, i32
  }
  func.func @transform_4(%arg0: i32) -> (i32, i32) {
    %c0_i32 = arith.constant 0 : i32
    %c0_i32_0 = arith.constant 0 : i32
    %c0_i32_1 = arith.constant 0 : i32
    return %c0_i32, %c0_i32_0 : i32, i32
  }
  func.func @transform_5(%arg0: i32) -> (i32, i32) {
    %c0_i32 = arith.constant 0 : i32
    %c0_i32_0 = arith.constant 0 : i32
    return %arg0, %c0_i32 : i32, i32
  }
}

</mosaic_0001>

<sc_bundles>
// kernel: kernel.11.cloned.1.call-start
scs
__scs_entry_jumppad:
0x0: {  	(pc) =	sbr.rel $0x88, $3  }
0x1: {  	(tag) =	ssettag $0x0;
	lr =	simm.s32 $0x1  }
0x2: {  	[smem:$0x3F98] =	sst lr;
	_ =	strace $0xD0000000  }
0x3: {  	_ = 	snop  }
0x4: {  	_ = 	snop  }
0x5: {  	_ = 	snop  }
0x6: {  	_ = 	snop  }
0x7: {  	_ = 	snop  }
__scs_overlays_trampoline_lowered:
0x8: {  	[smem:$0x3FA7] =	sst s0  }
0x9: {  	[smem:$0x3FA8] =	sst s1  }
0xa: {  	[smem:$0x3FA9] =	sst s2  }
0xb: {  	[smem:$0x3FAA] =	sst s3  }
0xc: {  	[smem:$0x3FAB] =	sst s4  }
0xd: {  	[smem:$0x3FAC] =	sst s5  }
0xe: {  	[smem:$0x3FAD] =	sst s6  }
0xf: {  	[smem:$0x3FAE] =	sst s7  }
0x10: {  	[smem:$0x3FAF] =	sst s8  }
0x11: {  	[smem:$0x3FB0] =	sst s9;
	s0 =	simm.s32 @!p0 $0x0  }
0x12: {  	s1 =	sld [smem:$0x3F96];
	s0 =	simm.s32 @p0 $0x1  }
0x13: {  	[smem:$0x3FB1] =	sst s0;
	s0 =	simm.s32 @!p1 $0x0  }
0x14: {  	s2 =	sld [smem:$0x3F95];
	s0 =	simm.s32 @p1 $0x1  }
0x15: {  	[smem:$0x3FB2] =	sst s0;
	s0 =	simm.s32 @!p2 $0x0  }
0x16: {  	s3 =	sld [smem:$0x3FDB];
	s0 =	simm.s32 @p2 $0x1  }
0x17: {  	s4 =	simm.s32 $0x1BF5;
	[smem:$0x3FB4] =	sst s0  }
0x18: {  	s0 =	sld [smem:$0x3F97];
	_ =	swait.ge [sflag:s4], $0x0  }
0x19: {  	s7 =	sld [smem:$0x3F98]  }
0x1a: {  	s8 =	sadd.s32 $0xFFFFE003, lr  }
0x1b: {  	s9 =	sadd.s32 $0xFFFFFEF7, lr;
	s5 =	simm.s32 $0xFFFFFFFF;
	p2 =	slt.u32 s8, $0xFFFFF086  }
0x1c: {  	p1 =	slt.u32 s9, $0xF7A;
	s5 =	simm.s32 @!p2 $0x0  }
0x1d: {  	s5 =	simm.s32 @p1 $0x1;
	p0 =	seq.s32 s7, s2  }
0x1e: {  	s7 =	smul.u32 @!p0 $0xF7A, s2;
	p2 =	seq.s32 @!p0 s5, $0x0  }
0x1f: {  	s9 =	smul.u32 $0xF7A, s1;
	s8 =	simm.s32 @!p0 $0x1BF5;
	p2 =	por !p2, p0  }
0x20: {  	[sflag:s8] =	ssyncset.s32 @!p0 $0xFFFFF086;
	s6 =	sadd.s32 @!p0 s3, s7;
	s7 =	simm.s32 @!p0 $0x108  }
0x21: {  	s3 =	sadd.s32 s3, s9;
	s6 =	sadd.s32 @!p0 $0x88, s6;
	s7 =	simm.s32 @p2 $0x1082  }
0x22: {  	[simem:s7], [sflag:s8] =	dma.local @!p0 [hbm:s6], $0xF7A  }
0x23: {  	s9 =	sor.u32 $0xD0000000, s2;
	s6 =	simm.s32 $0x108;
	_ =	swait.ge @!p0 [sflag:s8], $0x0  }
0x24: {  	s3 =	sadd.s32 $0x88, s3;
	s6 =	simm.s32 @!p1 $0x1082;
	[sflag:s4] =	ssyncset.s32 $0xFFFFF086  }
0x25: {  	[simem:s6], [sflag:s4] =	dma.local [hbm:s3], $0xF7A  }
0x26: {  	[smem:$0x3F98] =	sst s1;
	(tag) =	ssettag s2;
	_ =	strace s9  }
0x27: {  	s1 =	sld [smem:$0x3FA8]  }
0x28: {  	s2 =	sld [smem:$0x3FA9]  }
0x29: {  	s4 =	sld [smem:$0x3FAB]  }
0x2a: {  	p0 =	seq.s32 s5, $0x0;
	s5 =	sld [smem:$0x3FAC]  }
0x2b: {  	s6 =	sld [smem:$0x3FAD]  }
0x2c: {  	s7 =	sld [smem:$0x3FAE]  }
0x2d: {  	s3 =	simm.s32 $0x108;
	s8 =	sld [smem:$0x3FAF]  }
0x2e: {  	s3 =	simm.s32 @!p0 $0x1082;
	s9 =	sld [smem:$0x3FB0]  }
0x2f: {  	lr =	sadd.s32 s0, s3;
	s0 =	sld [smem:$0x3FA7]  }
0x30: {  	s3 =	sld [smem:$0x3FAA]  }
0x31: {  	[smem:$0x3FB3] =	sst s10  }
0x32: {  	s10 =	sld [smem:$0x3FB1];
	_ =	sdelay $0x3  }
0x33: {  	p0 =	seq.s32 s10, $0x1;
	s10 =	sld [smem:$0x3FB3];
	_ =	sdelay $0x3  }
0x34: {  	[smem:$0x3FB3] =	sst s10  }
0x35: {  	s10 =	sld [smem:$0x3FB2];
	_ =	sdelay $0x3  }
0x36: {  	p1 =	seq.s32 s10, $0x1;
	s10 =	sld [smem:$0x3FB3];
	_ =	sdelay $0x3  }
0x37: {  	[smem:$0x3FB3] =	sst s10  }
0x38: {  	s10 =	sld [smem:$0x3FB4]  }
0x39: {  	_ = 	snop;
	(pc) =	sbr.ind lr, $3  }
0x3a: {  	_ = 	snop  }
0x3b: {  	_ = 	snop  }
0x3c: {  	p2 =	seq.s32 s10, $0x1;
	s10 =	sld [smem:$0x3FB3]  }
0x3d: {  	_ =	shalt  }
0x3e: {  	_ =	shalt  }
0x3f: {  	_ =	shalt  }
0x40: {  	_ =	shalt  }
0x41: {  	_ =	shalt  }
0x42: {  	_ =	shalt  }
0x43: {  	_ =	shalt  }
0x44: {  	_ =	shalt  }
0x45: {  	_ =	shalt  }
0x46: {  	_ =	shalt  }
0x47: {  	_ =	shalt  }
0x48: {  	_ =	shalt  }
0x49: {  	_ =	shalt  }
0x4a: {  	_ =	shalt  }
0x4b: {  	_ =	shalt  }
0x4c: {  	_ =	shalt  }
0x4d: {  	_ =	shalt  }
0x4e: {  	_ =	shalt  }
0x4f: {  	_ =	shalt  }
0x50: {  	_ =	shalt  }
0x51: {  	_ =	shalt  }
0x52: {  	_ =	shalt  }
0x53: {  	_ =	shalt  }
0x54: {  	_ =	shalt  }
0x55: {  	_ =	shalt  }
0x56: {  	_ =	shalt  }
0x57: {  	_ =	shalt  }
0x58: {  	_ =	shalt  }
0x59: {  	_ =	shalt  }
0x5a: {  	_ =	shalt  }
0x5b: {  	_ =	shalt  }
0x5c: {  	_ =	shalt  }
0x5d: {  	_ =	shalt  }
0x5e: {  	_ =	shalt  }
0x5f: {  	_ =	shalt  }
0x60: {  	_ =	shalt  }
0x61: {  	_ =	shalt  }
0x62: {  	_ =	shalt  }
0x63: {  	_ =	shalt  }
0x64: {  	_ =	shalt  }
0x65: {  	_ =	shalt  }
0x66: {  	_ =	shalt  }
0x67: {  	_ =	shalt  }
0x68: {  	_ =	shalt  }
0x69: {  	_ =	shalt  }
0x6a: {  	_ =	shalt  }
0x6b: {  	_ =	shalt  }
0x6c: {  	_ =	shalt  }
0x6d: {  	_ =	shalt  }
0x6e: {  	_ =	shalt  }
0x6f: {  	_ =	shalt  }
0x70: {  	_ =	shalt  }
0x71: {  	_ =	shalt  }
0x72: {  	_ =	shalt  }
0x73: {  	_ =	shalt  }
0x74: {  	_ =	shalt  }
0x75: {  	_ =	shalt  }
0x76: {  	_ =	shalt  }
0x77: {  	_ =	shalt  }
0x78: {  	_ =	shalt  }
0x79: {  	_ =	shalt  }
0x7a: {  	_ =	shalt  }
0x7b: {  	_ =	shalt  }
0x7c: {  	_ =	shalt  }
0x7d: {  	_ =	shalt  }
0x7e: {  	_ =	shalt  }
0x7f: {  	_ =	shalt  }
0x80: {  	_ =	shalt  }
0x81: {  	_ =	shalt  }
0x82: {  	_ =	shalt  }
0x83: {  	_ =	shalt  }
0x84: {  	_ =	shalt  }
0x85: {  	_ =	shalt  }
0x86: {  	_ =	shalt  }
0x87: {  	_ =	shalt  }
.Lfunc_end0:
.L_simem_size_0:
called_computation.1_lowered:
.L_overlay_start_0:
0x88: {  	s2 =	sld [smem:$0x3FD9]  }
0x89: {  	s3 =	sld [smem:$0x3FFE];
	_ =	sdelay $0x1  }
0x8a: {  	s1 =	srdreg.scid  }
0x8b: {  	s0 =	sand.u32 $0x1, s1  }
0x8c: {  	s17 =	sshll.u32 s0, $0xA;
	s2 =	sadd.s32 s3, s2  }
0x8d: {  	s2 =	sadd.s32 s2, s17  }
0x8e: {  	[smem:$0x3FBF] =	sst s2  }
0x8f: {  	_ = 	snop  }
0x90: {  	s2 =	sld [smem:$0x3FD0];
	(tm) =	ssettm $0x1  }
0x91: {  	s18 =	sld [smem:$0x3FFB];
	_ =	sdelay $0x3  }
0x92: {  	_ =	strace s18  }
0x93: {  	s3 =	sld [smem:$0x3FFC];
	_ =	sdelay $0x3  }
0x94: {  	_ =	strace s3  }
0x95: {  	s3 =	sld [smem:$0x3FFD];
	_ =	sdelay $0x3  }
0x96: {  	_ =	strace s3  }
0x97: {  	_ =	strace $0x8FFFFFFF  }
0x98: {  	s19 =	sld [smem:$0x3FDB];
	_ =	sdelay $0x1  }
0x99: {  	s4 =	simm.s32 $_scs_section_size  }
0x9a: {  	s5 =	simm.s32 $_size__tile_overlayer_lowered;
	s6 =	simm.s32 $_tile_overlayer_lowered  }
0x9b: {  	s22 =	simm.s32 $0x1BFF;
	s21 =	sshll.u32 s6, $0x1;
	s3 =	sadd.s32 s4, s19  }
0x9c: {  	s7 =	simm.s32 $0x0;
	s20 =	sshll.u32 s5, $0x1;
	s5 =	sadd.s32 s21, s3  }
0x9d: {  	[timem:s7], [sflag:s22] =	dma.local [hbm:s5], s20  }
0x9e: {  	_ =	swait.ge [sflag:s22], s20  }
0x9f: {  	s4 =	ssub.s32 $0x0, s20;
	[sflag:s22] =	ssyncset.done $0x0  }
0xa0: {  	[sflag:s22] =	ssyncadd.s32 s4;
	_ =	sdelay $0x1  }
0xa1: {  	s23 =	simm.s32 $0x1B8B  }
0xa2: {  	_ =	swait.ge [sflag:s23], $0x1  }
0xa3: {  	[sflag:s23] =	ssyncset.done $0x0  }
0xa4: {  	s25 =	simm.s32 $0x1B8E;
	s24 =	sld [smem:$0x3FFE];
	[sflag:s23] =	ssyncadd.s32 $0xFFFFFFFF  }
0xa5: {  	s26 =	simm.s32 $execute0_lowered;
	[smem:$0x3FD2] =	sst s25  }
0xa6: {  	s5 =	sshll.u32 s26, $0x1;
	_ =	strace $0x80000049;
	[dreg:$0x1] =	wrdreg $0xFFFFFFFF  }
0xa7: {  	s28 =	simm.s32 $_size_execute0_lowered;
	s3 =	sadd.s32 s3, s5;
	[dreg:$0x0] =	wrdreg $0x0  }
0xa8: {  	s5 =	sshll.u32 s28, $0x1;
	[dreg:$0x2] =	wrdreg s3  }
0xa9: {  	[dreg:$0x3] =	wrdreg s5  }
0xaa: {  	[dreg:$0x4] =	wrdreg $0xC0  }
0xab: {  	_ =	task [dreg:s7], $0x5FFFF  }
0xac: {  	[dreg:$0x1] =	wrdreg $0xFFFFFFFF  }
0xad: {  	[dreg:$0x0] =	wrdreg $0x60  }
0xae: {  	[dreg:$0x2] =	wrdreg s24  }
0xaf: {  	[dreg:$0x3] =	wrdreg s2  }
0xb0: {  	[dreg:$0x4] =	wrdreg $0xA8000  }
0xb1: {  	[dreg:$0x5] =	wrdreg $0x9  }
0xb2: {  	_ =	task.clear_ibuf [dreg:s7], $0x6FFFF;
	_ =	strace $0x90000049  }
0xb3: {  	s29 =	simm.s32 $0x9;
	_ =	strace $0x8000004B  }
0xb4: {  	_ =	swait.ge [sflag:s29], $0x1  }
0xb5: {  	[sflag:s29] =	ssyncadd.s32 $0xFFFFFFFF  }
0xb6: {  	_ =	strace $0x9000004B  }
0xb7: {  	_ =	sfence  }
0xb8: {  	s30 =	sld [smem:$0x0];
	_ =	sdelay $0x2  }
0xb9: {  	s31 =	sshll.u32 s1, $0xD;
	s1 =	sshrl.u32 s1, $0x2  }
0xba: {  	s3 =	sand.u32 $0x4000, s31;
	s1 =	sadd.s32 s1, s30  }
0xbb: {  	s0 =	sor.u32 s3, s0;
	s1 =	sshll.u32 s1, $0x11  }
0xbc: {  	s0 =	sor.u32 s1, s0  }
0xbd: {  	s0 =	sadd.s32 $0x8F2B, s0  }
0xbe: {  	[sflag:s0] =	ssyncadd.remote.s32 $0x1  }
0xbf: {  	_ =	sfence.sel $0xFFFF  }
0xc0: {  	[dreg:$0x0] =	wrdreg $0xFFFFFFFF;
	(pc) =	sbr.abs _section_cstart, $3  }
0xc1: {  	[dreg:$0x1] =	wrdreg $0xFFFFFFFF  }
0xc2: {  	_ =	task.clear_ibuf [dreg:s7], $0x2FFFF;
	_ =	strace $0x9FFFFFFF  }
0xc3: {  	(tm) =	ssettm $0x7FFFFFFF  }
tec
execute0_lowered:
.L_overlay_start_1:
0x0: {  	(tag) =	ssettag $0x1  }
0x1: {  	s6 =	rddreg [dreg:$0x0]  }
0x2: {  	s10 =	rddreg [dreg:$0x1]  }
0x3: {  	s1 =	rddreg [dreg:$0x2]  }
0x4: {  	s2 =	srdreg.scid;
	s0 =	rddreg [dreg:$0x3];
	s3 =	simm.s32 $0x0  }
0x5: {  	s16 =	simm.s32 $0x80;
	s17 =	simm.s32 $0x2800;
	s18 =	simm.s32 $0x6800  }
0x6: {  	s19 =	simm.s32 $0x1;
	s20 =	simm.s32 $0x2;
	s21 =	simm.s32 $0x2700  }
0x7: {  	s22 =	simm.s32 $0x2780;
	s7 =	sand.u32 $0x1, s2;
	s2 =	stileid.u32  }
0x8: {  	s23 =	simm.s32 $0x0;
	[smem:$0x7FF] =	sst s3;
	s5 =	smul.u32 $0x140000, s7  }
0x9: {  	s4 =	sadd.s32 $0x6C00, s6;
	s9 =	sadd.s32 $0x7EC00, s6;
	s8 =	smul.u32 $0x14000, s2  }
0xa: {  	_ =	strace $0x8000004A;
	s11 =	sshll.u32 s7, $0x4;
	s7 =	ssub.s32 $0x2, s7  }
0xb: {  	s12 =	smul.u32 $0x50000, s2;
	s31 =	sshll.u32 s2, $0x6;
	s11 =	sor.u32 s2, s11  }
0xc: {  	s28 =	sshrl.u32 s7, $0x1;
	s8 =	sadd.s32 s8, s5;
	s5 =	sadd.s32 $0x4400, s6  }
0xd: {  	s29 =	smul.u32 $0x2800, s11;
	s14 =	ssub.s32 s7, s28;
	s30 =	sshrl.u32 s12, $0x2  }
0xe: {  	s8 =	sshrl.u32 s8, $0x3;
	s15 =	sadd.s32 s30, s1;
	s12 =	smax.u32 s14, $0x1  }
0xf: {  	s14 =	simm.s32 $0x3;
	s13 =	sadd.s32 s8, s6;
	s11 =	sshrl.u32 s29, $0x3  }
0x10: {  	s7 =	sadd.s32 s9, s11;
	s8 =	sadd.s32 s10, s11;
	s11 =	sadd.s32 $0x280, s11  }
0x11: {  	s6 =	sor.u32 $0x1C03, s31;
	s9 =	sadd.s32 s9, s11;
	s10 =	sadd.s32 s10, s11  }
0x12: {  	s11 =	sadd.s32 $0x88C00, s13;
	s13 =	sshrl.u32 s15, $0x3;
	s15 =	simm.s32 $0x1400  }
.LBB2_1:
0x13: {  	[spmem:s13], [sflag:s6] =	dma.local [hbm:s5], $0x2800  }
0x14: {  	_ =	swait.ge [sflag:s14], $0x2800  }
0x15: {  	[sflag:s14] =	ssyncset.done $0x0  }
0x16: {  	[sflag:s14] =	ssyncadd.s32 $0xFFFFD800  }
0x17: {  	[bflag:$0x0] =	sbarrier.arrive $0xFFFF  }
0x18: {  	[tilespmem:s3], [sflag:$0x3] =	stream.linear.gather [hbm4b:s7+s3], $0x1400, $0x38;
	[tilespmem:$0x1E800] =	vst v63  }
0x19: {  	_ =	swait.ge [sflag:s14], $0x1400  }
0x1a: {  	[sflag:s14] =	ssyncset.done $0x0  }
0x1b: {  	[sflag:s14] =	ssyncadd.s32 $0xFFFFEC00  }
0x1c: {  	[tilespmem:s15], [sflag:$0x3] =	stream.linear.gather [hbm4b:s8+s3], $0x1400, $0x38;
	[tilespmem:$0x1E800] =	vst v63  }
0x1d: {  	_ =	swait.ge [sflag:s14], $0x1400  }
0x1e: {  	[sflag:s14] =	ssyncset.done $0x0  }
0x1f: {  	[sflag:s14] =	ssyncadd.s32 $0xFFFFEC00  }
0x20: {  	[tilespmem:s17], [sflag:$0x1] =	stream.indirect.gather [hbm4b:s4+s16], $0x80, s3, s16, $0xb8;
	[tilespmem:$0x1E800] =	vst v63  }
0x21: {  	_ = 	snop  }
0x22: {  	[tilespmem:s18], [sflag:$0x2] =	stream.indirect.gather [hbm4b:s4+s16], $0x80, s16, s16, $0xb8;
	[tilespmem:$0x1E800] =	vst v63  }
0x23: {  	_ =	swait.ge [sflag:s19], $0x4000  }
0x24: {  	[sflag:s19] =	ssyncset.done $0x0  }
0x25: {  	s24 =	simm.s32 $0x1400;
	[sflag:s19] =	ssyncadd.s32 $0xFFFFC000  }
0x26: {  	[spmem:s1] =	stream.indirect.scatter.add.f32 [tilespmem:s17], [sflag:$0x3], $0x80, s24, s16, $0xb8;
	[tilespmem:$0x1E800] =	vst v63  }
0x27: {  	_ =	swait.ge [sflag:s14], $0x4000  }
0x28: {  	[sflag:s14] =	ssyncset.done $0x0  }
0x29: {  	s30 =	simm.s32 $0x100;
	[sflag:s14] =	ssyncadd.s32 $0xFFFFC000  }
0x2a: {  	[tilespmem:s17], [sflag:$0x1] =	stream.indirect.gather [hbm4b:s4+s16], $0x80, s30, s16, $0xb8;
	[tilespmem:$0x1E800] =	vst v63  }
0x2b: {  	_ =	swait.ge [sflag:s20], $0x4000  }
0x2c: {  	[sflag:s20] =	ssyncset.done $0x0  }
0x2d: {  	s31 =	simm.s32 $0x1480;
	[sflag:s20] =	ssyncadd.s32 $0xFFFFC000  }
0x2e: {  	[spmem:s1] =	stream.indirect.scatter.add.f32 [tilespmem:s18], [sflag:$0x3], $0x80, s31, s16, $0xb8;
	[tilespmem:$0x1E800] =	vst v63  }
0x2f: {  	_ =	swait.ge [sflag:s14], $0x4000  }
0x30: {  	[sflag:s14] =	ssyncset.done $0x0  }
0x31: {  	s25 =	simm.s32 $0x180;
	s24 =	simm.s32 $0x400;
	[sflag:s14] =	ssyncadd.s32 $0xFFFFC000  }
.LBB2_2:
0x32: {  	[tilespmem:s18], [sflag:$0x2] =	stream.indirect.gather [hbm4b:s4+s16], $0x80, s25, s16, $0xb8;
	[tilespmem:$0x1E800] =	vst v63  }
0x33: {  	s25 =	smov.u32 s24  }
0x34: {  	p0 =	sne.s32 s24, $0x4800;
	s24 =	sadd.s32 $0x400, s24;
	_ =	swait.ge [sflag:s19], $0x4000  }
0x35: {  	s25 =	sshra.s32 s25, $0x2;
	[sflag:s19] =	ssyncset.done $0x0  }
0x36: {  	s26 =	sadd.s32 $0x1400, s25;
	[sflag:s19] =	ssyncadd.s32 $0xFFFFC000  }
0x37: {  	[spmem:s1] =	stream.indirect.scatter.add.f32 [tilespmem:s17], [sflag:$0x3], $0x80, s26, s16, $0xb8;
	[tilespmem:$0x1E800] =	vst v63  }
0x38: {  	_ =	swait.ge [sflag:s14], $0x4000  }
0x39: {  	[sflag:s14] =	ssyncset.done $0x0  }
0x3a: {  	s26 =	sadd.s32 $0x100, s25;
	[sflag:s14] =	ssyncadd.s32 $0xFFFFC000  }
0x3b: {  	[tilespmem:s17], [sflag:$0x1] =	stream.indirect.gather [hbm4b:s4+s16], $0x80, s26, s16, $0xb8;
	[tilespmem:$0x1E800] =	vst v63  }
0x3c: {  	_ =	swait.ge [sflag:s20], $0x4000  }
0x3d: {  	[sflag:s20] =	ssyncset.done $0x0  }
.Ltmp0:
0x3e: {  	s26 =	sadd.s32 $0x1480, s25;
	[sflag:s20] =	ssyncadd.s32 $0xFFFFC000;
	(pc) =	sbr.rel @p0 .LBB2_2-.Ltmp0, $4  }
0x3f: {  	[spmem:s1] =	stream.indirect.scatter.add.f32 [tilespmem:s18], [sflag:$0x3], $0x80, s26, s16, $0xb8;
	[tilespmem:$0x1E800] =	vst v63  }
0x40: {  	_ =	swait.ge [sflag:s14], $0x4000  }
0x41: {  	[sflag:s14] =	ssyncset.done $0x0  }
0x42: {  	s25 =	sadd.s32 $0x180, s25;
	[sflag:s14] =	ssyncadd.s32 $0xFFFFC000  }
0x43: {  	[tilespmem:s18], [sflag:$0x2] =	stream.indirect.gather [hbm4b:s4+s16], $0x80, s25, s16, $0xb8;
	[tilespmem:$0x1E800] =	vst v63  }
0x44: {  	_ =	swait.ge [sflag:s19], $0x4000  }
0x45: {  	[sflag:s19] =	ssyncset.done $0x0  }
0x46: {  	[sflag:s19] =	ssyncadd.s32 $0xFFFFC000  }
0x47: {  	[spmem:s1] =	stream.indirect.scatter.add.f32 [tilespmem:s17], [sflag:$0x3], $0x80, s21, s16, $0xb8;
	[tilespmem:$0x1E800] =	vst v63  }
0x48: {  	_ =	swait.ge [sflag:s14], $0x4000  }
0x49: {  	[sflag:s14] =	ssyncset.done $0x0  }
0x4a: {  	[sflag:s14] =	ssyncadd.s32 $0xFFFFC000  }
0x4b: {  	_ =	swait.ge [sflag:s20], $0x4000  }
0x4c: {  	[sflag:s20] =	ssyncset.done $0x0  }
0x4d: {  	[sflag:s20] =	ssyncadd.s32 $0xFFFFC000  }
0x4e: {  	[spmem:s1] =	stream.indirect.scatter.add.f32 [tilespmem:s18], [sflag:$0x3], $0x80, s22, s16, $0xb8;
	[tilespmem:$0x1E800] =	vst v63  }
0x4f: {  	_ =	swait.ge [sflag:s14], $0x4000  }
0x50: {  	[sflag:s14] =	ssyncset.done $0x0  }
0x51: {  	s24 =	simm.s32 $0x0;
	[sflag:s14] =	ssyncadd.s32 $0xFFFFC000  }
0x52: {  	[tilespmem:s24], [sflag:$0x3] =	stream.linear.gather [hbm4b:s9+s24], $0x1400, $0x38;
	[tilespmem:$0x1E800] =	vst v63  }
0x53: {  	_ =	swait.ge [sflag:s14], $0x1400  }
0x54: {  	[sflag:s14] =	ssyncset.done $0x0  }
0x55: {  	[sflag:s14] =	ssyncadd.s32 $0xFFFFEC00  }
0x56: {  	[tilespmem:s15], [sflag:$0x3] =	stream.linear.gather [hbm4b:s10+s24], $0x1400, $0x38;
	[tilespmem:$0x1E800] =	vst v63  }
0x57: {  	_ =	swait.ge [sflag:s14], $0x1400  }
0x58: {  	[sflag:s14] =	ssyncset.done $0x0  }
0x59: {  	[sflag:s14] =	ssyncadd.s32 $0xFFFFEC00  }
0x5a: {  	[tilespmem:s17], [sflag:$0x1] =	stream.indirect.gather [hbm4b:s4+s16], $0x80, s24, s16, $0xb8;
	[tilespmem:$0x1E800] =	vst v63  }
0x5b: {  	_ = 	snop  }
0x5c: {  	[tilespmem:s18], [sflag:$0x2] =	stream.indirect.gather [hbm4b:s4+s16], $0x80, s16, s16, $0xb8;
	[tilespmem:$0x1E800] =	vst v63  }
0x5d: {  	_ =	swait.ge [sflag:s19], $0x4000  }
0x5e: {  	[sflag:s19] =	ssyncset.done $0x0  }
0x5f: {  	s29 =	simm.s32 $0x1400;
	[sflag:s19] =	ssyncadd.s32 $0xFFFFC000  }
0x60: {  	[spmem:s1] =	stream.indirect.scatter.add.f32 [tilespmem:s17], [sflag:$0x3], $0x80, s29, s16, $0xb8;
	[tilespmem:$0x1E800] =	vst v63  }
0x61: {  	_ =	swait.ge [sflag:s14], $0x4000  }
0x62: {  	[sflag:s14] =	ssyncset.done $0x0  }
0x63: {  	s30 =	simm.s32 $0x100;
	[sflag:s14] =	ssyncadd.s32 $0xFFFFC000  }
0x64: {  	[tilespmem:s17], [sflag:$0x1] =	stream.indirect.gather [hbm4b:s4+s16], $0x80, s30, s16, $0xb8;
	[tilespmem:$0x1E800] =	vst v63  }
0x65: {  	_ =	swait.ge [sflag:s20], $0x4000  }
0x66: {  	[sflag:s20] =	ssyncset.done $0x0  }
0x67: {  	s31 =	simm.s32 $0x1480;
	[sflag:s20] =	ssyncadd.s32 $0xFFFFC000  }
0x68: {  	[spmem:s1] =	stream.indirect.scatter.add.f32 [tilespmem:s18], [sflag:$0x3], $0x80, s31, s16, $0xb8;
	[tilespmem:$0x1E800] =	vst v63  }
0x69: {  	_ =	swait.ge [sflag:s14], $0x4000  }
0x6a: {  	[sflag:s14] =	ssyncset.done $0x0  }
0x6b: {  	s25 =	simm.s32 $0x180;
	s24 =	simm.s32 $0x400;
	[sflag:s14] =	ssyncadd.s32 $0xFFFFC000  }
.LBB2_4:
0x6c: {  	[tilespmem:s18], [sflag:$0x2] =	stream.indirect.gather [hbm4b:s4+s16], $0x80, s25, s16, $0xb8;
	[tilespmem:$0x1E800] =	vst v63  }
0x6d: {  	s25 =	smov.u32 s24  }
0x6e: {  	p0 =	sne.s32 s24, $0x4800;
	s24 =	sadd.s32 $0x400, s24;
	_ =	swait.ge [sflag:s19], $0x4000  }
0x6f: {  	s25 =	sshra.s32 s25, $0x2;
	[sflag:s19] =	ssyncset.done $0x0  }
0x70: {  	s26 =	sadd.s32 $0x1400, s25;
	[sflag:s19] =	ssyncadd.s32 $0xFFFFC000  }
0x71: {  	[spmem:s1] =	stream.indirect.scatter.add.f32 [tilespmem:s17], [sflag:$0x3], $0x80, s26, s16, $0xb8;
	[tilespmem:$0x1E800] =	vst v63  }
0x72: {  	_ =	swait.ge [sflag:s14], $0x4000  }
0x73: {  	[sflag:s14] =	ssyncset.done $0x0  }
0x74: {  	s26 =	sadd.s32 $0x100, s25;
	[sflag:s14] =	ssyncadd.s32 $0xFFFFC000  }
0x75: {  	[tilespmem:s17], [sflag:$0x1] =	stream.indirect.gather [hbm4b:s4+s16], $0x80, s26, s16, $0xb8;
	[tilespmem:$0x1E800] =	vst v63  }
0x76: {  	_ =	swait.ge [sflag:s20], $0x4000  }
0x77: {  	[sflag:s20] =	ssyncset.done $0x0  }
.Ltmp1:
0x78: {  	s26 =	sadd.s32 $0x1480, s25;
	[sflag:s20] =	ssyncadd.s32 $0xFFFFC000;
	(pc) =	sbr.rel @p0 .LBB2_4-.Ltmp1, $4  }
0x79: {  	[spmem:s1] =	stream.indirect.scatter.add.f32 [tilespmem:s18], [sflag:$0x3], $0x80, s26, s16, $0xb8;
	[tilespmem:$0x1E800] =	vst v63  }
0x7a: {  	_ =	swait.ge [sflag:s14], $0x4000  }
0x7b: {  	[sflag:s14] =	ssyncset.done $0x0  }
0x7c: {  	s25 =	sadd.s32 $0x180, s25;
	[sflag:s14] =	ssyncadd.s32 $0xFFFFC000  }
0x7d: {  	[tilespmem:s18], [sflag:$0x2] =	stream.indirect.gather [hbm4b:s4+s16], $0x80, s25, s16, $0xb8;
	[tilespmem:$0x1E800] =	vst v63  }
0x7e: {  	_ =	swait.ge [sflag:s19], $0x4000  }
0x7f: {  	[sflag:s19] =	ssyncset.done $0x0  }
0x80: {  	[sflag:s19] =	ssyncadd.s32 $0xFFFFC000  }
0x81: {  	[spmem:s1] =	stream.indirect.scatter.add.f32 [tilespmem:s17], [sflag:$0x3], $0x80, s21, s16, $0xb8;
	[tilespmem:$0x1E800] =	vst v63  }
0x82: {  	_ =	swait.ge [sflag:s14], $0x4000  }
0x83: {  	[sflag:s14] =	ssyncset.done $0x0  }
0x84: {  	[sflag:s14] =	ssyncadd.s32 $0xFFFFC000  }
0x85: {  	_ =	swait.ge [sflag:s20], $0x4000  }
0x86: {  	[sflag:s20] =	ssyncset.done $0x0  }
0x87: {  	[sflag:s20] =	ssyncadd.s32 $0xFFFFC000  }
0x88: {  	[spmem:s1] =	stream.indirect.scatter.add.f32 [tilespmem:s18], [sflag:$0x3], $0x80, s22, s16, $0xb8;
	[tilespmem:$0x1E800] =	vst v63  }
0x89: {  	_ =	swait.ge [sflag:s14], $0x4000  }
0x8a: {  	s23 =	sadd.s32 $0x1, s23;
	[sflag:s14] =	ssyncset.done $0x0  }
0x8b: {  	p0 =	sne.s32 s23, s12;
	[sflag:s14] =	ssyncadd.s32 $0xFFFFC000  }
.Ltmp2:
0x8c: {  	[bflag:$0x0] =	sbarrier.arrive $0xFFFF;
	(pc) =	sbr.rel @p0 .LBB2_1-.Ltmp2, $4  }
0x8d: {  	[hbm:s11], [sflag:s6] =	dma.local [spmem:s13], $0x2800  }
0x8e: {  	_ =	swait.ge [sflag:s14], $0x2800  }
0x8f: {  	[sflag:s14] =	ssyncset.done $0x0  }
0x90: {  	[sflag:s14] =	ssyncadd.s32 $0xFFFFD800  }
0x91: {  	_ =	sfence.sel $0x180000  }
0x92: {  	[bflag:$0x0] =	sbarrier.arrive $0xFFFF  }
0x93: {  	p0 =	sne.s32 s2, $0x0;
	_ =	strace $0x9000004A  }
0x94: {  	s0 =	sadd.s32 @!p0 $0x100000, s0;
	[bflag:$0x2] =	sbarrier.arrive $0xFFFF  }
0x95: {  	[sflag:s0] =	ssyncadd.tile.s32 @!p0 $0x1;
	_ =	shalt  }
.Lfunc_end2:
_tile_overlayer_lowered:
.L_overlay_start_2:
0x96: {  	(tag) =	ssettag $0x2  }
0x97: {  	s0 =	rddreg [dreg:$0x0];
	s2 =	stileid.u32  }
0x98: {  	s1 =	rddreg [dreg:$0x1];
	p0 =	sne.s32 s2, $0x0  }
0x99: {  	s3 =	rddreg [dreg:$0x2];
	[bflag:$0x3] =	sbarrier.arrive $0xFFFF;
	s2 =	simm.s32 @!p0 $0x1C03  }
0x9a: {  	[timem:s3], [sflag:s2] =	dma.local @!p0 [hbm:s0], s1  }
0x9b: {  	s0 =	simm.s32 @!p0 $0x3  }
0x9c: {  	_ =	swait.ge @!p0 [sflag:s0], s1  }
0x9d: {  	s1 =	ssub.s32 @!p0 $0x0, s1;
	[sflag:s0] =	ssyncset.done @!p0 $0x0  }
0x9e: {  	[sflag:s0] =	ssyncadd.s32 @!p0 s1  }
0x9f: {  	[bflag:$0x3] =	sbarrier.arrive $0xFFFF  }
0xa0: {  	_ =	shalt  }

// kernel: kernel.14.cloned.1.call-start
scs
__scs_entry_jumppad:
0x0: {  	(pc) =	sbr.rel $0x88, $3  }
0x1: {  	(tag) =	ssettag $0x0;
	lr =	simm.s32 $0x1  }
0x2: {  	[smem:$0x3F98] =	sst lr;
	_ =	strace $0xD0000000  }
0x3: {  	_ = 	snop  }
0x4: {  	_ = 	snop  }
0x5: {  	_ = 	snop  }
0x6: {  	_ = 	snop  }
0x7: {  	_ = 	snop  }
__scs_overlays_trampoline_lowered:
0x8: {  	[smem:$0x3FA7] =	sst s0  }
0x9: {  	[smem:$0x3FA8] =	sst s1  }
0xa: {  	[smem:$0x3FA9] =	sst s2  }
0xb: {  	[smem:$0x3FAA] =	sst s3  }
0xc: {  	[smem:$0x3FAB] =	sst s4  }
0xd: {  	[smem:$0x3FAC] =	sst s5  }
0xe: {  	[smem:$0x3FAD] =	sst s6  }
0xf: {  	[smem:$0x3FAE] =	sst s7  }
0x10: {  	[smem:$0x3FAF] =	sst s8  }
0x11: {  	[smem:$0x3FB0] =	sst s9;
	s0 =	simm.s32 @!p0 $0x0  }
0x12: {  	s1 =	sld [smem:$0x3F96];
	s0 =	simm.s32 @p0 $0x1  }
0x13: {  	[smem:$0x3FB1] =	sst s0;
	s0 =	simm.s32 @!p1 $0x0  }
0x14: {  	s2 =	sld [smem:$0x3F95];
	s0 =	simm.s32 @p1 $0x1  }
0x15: {  	[smem:$0x3FB2] =	sst s0;
	s0 =	simm.s32 @!p2 $0x0  }
0x16: {  	s3 =	sld [smem:$0x3FDB];
	s0 =	simm.s32 @p2 $0x1  }
0x17: {  	s4 =	simm.s32 $0x1BF5;
	[smem:$0x3FB4] =	sst s0  }
0x18: {  	s0 =	sld [smem:$0x3F97];
	_ =	swait.ge [sflag:s4], $0x0  }
0x19: {  	s7 =	sld [smem:$0x3F98]  }
0x1a: {  	s8 =	sadd.s32 $0xFFFFE003, lr  }
0x1b: {  	s9 =	sadd.s32 $0xFFFFFEF7, lr;
	s5 =	simm.s32 $0xFFFFFFFF;
	p2 =	slt.u32 s8, $0xFFFFF086  }
0x1c: {  	p1 =	slt.u32 s9, $0xF7A;
	s5 =	simm.s32 @!p2 $0x0  }
0x1d: {  	s5 =	simm.s32 @p1 $0x1;
	p0 =	seq.s32 s7, s2  }
0x1e: {  	s7 =	smul.u32 @!p0 $0xF7A, s2;
	p2 =	seq.s32 @!p0 s5, $0x0  }
0x1f: {  	s9 =	smul.u32 $0xF7A, s1;
	s8 =	simm.s32 @!p0 $0x1BF5;
	p2 =	por !p2, p0  }
0x20: {  	[sflag:s8] =	ssyncset.s32 @!p0 $0xFFFFF086;
	s6 =	sadd.s32 @!p0 s3, s7;
	s7 =	simm.s32 @!p0 $0x108  }
0x21: {  	s3 =	sadd.s32 s3, s9;
	s6 =	sadd.s32 @!p0 $0x88, s6;
	s7 =	simm.s32 @p2 $0x1082  }
0x22: {  	[simem:s7], [sflag:s8] =	dma.local @!p0 [hbm:s6], $0xF7A  }
0x23: {  	s9 =	sor.u32 $0xD0000000, s2;
	s6 =	simm.s32 $0x108;
	_ =	swait.ge @!p0 [sflag:s8], $0x0  }
0x24: {  	s3 =	sadd.s32 $0x88, s3;
	s6 =	simm.s32 @!p1 $0x1082;
	[sflag:s4] =	ssyncset.s32 $0xFFFFF086  }
0x25: {  	[simem:s6], [sflag:s4] =	dma.local [hbm:s3], $0xF7A  }
0x26: {  	[smem:$0x3F98] =	sst s1;
	(tag) =	ssettag s2;
	_ =	strace s9  }
0x27: {  	s1 =	sld [smem:$0x3FA8]  }
0x28: {  	s2 =	sld [smem:$0x3FA9]  }
0x29: {  	s4 =	sld [smem:$0x3FAB]  }
0x2a: {  	p0 =	seq.s32 s5, $0x0;
	s5 =	sld [smem:$0x3FAC]  }
0x2b: {  	s6 =	sld [smem:$0x3FAD]  }
0x2c: {  	s7 =	sld [smem:$0x3FAE]  }
0x2d: {  	s3 =	simm.s32 $0x108;
	s8 =	sld [smem:$0x3FAF]  }
0x2e: {  	s3 =	simm.s32 @!p0 $0x1082;
	s9 =	sld [smem:$0x3FB0]  }
0x2f: {  	lr =	sadd.s32 s0, s3;
	s0 =	sld [smem:$0x3FA7]  }
0x30: {  	s3 =	sld [smem:$0x3FAA]  }
0x31: {  	[smem:$0x3FB3] =	sst s10  }
0x32: {  	s10 =	sld [smem:$0x3FB1];
	_ =	sdelay $0x3  }
0x33: {  	p0 =	seq.s32 s10, $0x1;
	s10 =	sld [smem:$0x3FB3];
	_ =	sdelay $0x3  }
0x34: {  	[smem:$0x3FB3] =	sst s10  }
0x35: {  	s10 =	sld [smem:$0x3FB2];
	_ =	sdelay $0x3  }
0x36: {  	p1 =	seq.s32 s10, $0x1;
	s10 =	sld [smem:$0x3FB3];
	_ =	sdelay $0x3  }
0x37: {  	[smem:$0x3FB3] =	sst s10  }
0x38: {  	s10 =	sld [smem:$0x3FB4]  }
0x39: {  	_ = 	snop;
	(pc) =	sbr.ind lr, $3  }
0x3a: {  	_ = 	snop  }
0x3b: {  	_ = 	snop  }
0x3c: {  	p2 =	seq.s32 s10, $0x1;
	s10 =	sld [smem:$0x3FB3]  }
0x3d: {  	_ =	shalt  }
0x3e: {  	_ =	shalt  }
0x3f: {  	_ =	shalt  }
0x40: {  	_ =	shalt  }
0x41: {  	_ =	shalt  }
0x42: {  	_ =	shalt  }
0x43: {  	_ =	shalt  }
0x44: {  	_ =	shalt  }
0x45: {  	_ =	shalt  }
0x46: {  	_ =	shalt  }
0x47: {  	_ =	shalt  }
0x48: {  	_ =	shalt  }
0x49: {  	_ =	shalt  }
0x4a: {  	_ =	shalt  }
0x4b: {  	_ =	shalt  }
0x4c: {  	_ =	shalt  }
0x4d: {  	_ =	shalt  }
0x4e: {  	_ =	shalt  }
0x4f: {  	_ =	shalt  }
0x50: {  	_ =	shalt  }
0x51: {  	_ =	shalt  }
0x52: {  	_ =	shalt  }
0x53: {  	_ =	shalt  }
0x54: {  	_ =	shalt  }
0x55: {  	_ =	shalt  }
0x56: {  	_ =	shalt  }
0x57: {  	_ =	shalt  }
0x58: {  	_ =	shalt  }
0x59: {  	_ =	shalt  }
0x5a: {  	_ =	shalt  }
0x5b: {  	_ =	shalt  }
0x5c: {  	_ =	shalt  }
0x5d: {  	_ =	shalt  }
0x5e: {  	_ =	shalt  }
0x5f: {  	_ =	shalt  }
0x60: {  	_ =	shalt  }
0x61: {  	_ =	shalt  }
0x62: {  	_ =	shalt  }
0x63: {  	_ =	shalt  }
0x64: {  	_ =	shalt  }
0x65: {  	_ =	shalt  }
0x66: {  	_ =	shalt  }
0x67: {  	_ =	shalt  }
0x68: {  	_ =	shalt  }
0x69: {  	_ =	shalt  }
0x6a: {  	_ =	shalt  }
0x6b: {  	_ =	shalt  }
0x6c: {  	_ =	shalt  }
0x6d: {  	_ =	shalt  }
0x6e: {  	_ =	shalt  }
0x6f: {  	_ =	shalt  }
0x70: {  	_ =	shalt  }
0x71: {  	_ =	shalt  }
0x72: {  	_ =	shalt  }
0x73: {  	_ =	shalt  }
0x74: {  	_ =	shalt  }
0x75: {  	_ =	shalt  }
0x76: {  	_ =	shalt  }
0x77: {  	_ =	shalt  }
0x78: {  	_ =	shalt  }
0x79: {  	_ =	shalt  }
0x7a: {  	_ =	shalt  }
0x7b: {  	_ =	shalt  }
0x7c: {  	_ =	shalt  }
0x7d: {  	_ =	shalt  }
0x7e: {  	_ =	shalt  }
0x7f: {  	_ =	shalt  }
0x80: {  	_ =	shalt  }
0x81: {  	_ =	shalt  }
0x82: {  	_ =	shalt  }
0x83: {  	_ =	shalt  }
0x84: {  	_ =	shalt  }
0x85: {  	_ =	shalt  }
0x86: {  	_ =	shalt  }
0x87: {  	_ =	shalt  }
.Lfunc_end0:
.L_simem_size_0:
called_computation.2_lowered:
.L_overlay_start_0:
0x88: {  	s2 =	sld [smem:$0x3FD9]  }
0x89: {  	s3 =	sld [smem:$0x3FFE];
	_ =	sdelay $0x1  }
0x8a: {  	s1 =	srdreg.scid  }
0x8b: {  	s0 =	sand.u32 $0x1, s1  }
0x8c: {  	s17 =	sshll.u32 s0, $0xA;
	s2 =	sadd.s32 s3, s2  }
0x8d: {  	s2 =	sadd.s32 s2, s17  }
0x8e: {  	[smem:$0x3FBF] =	sst s2  }
0x8f: {  	_ = 	snop  }
0x90: {  	s2 =	sld [smem:$0x3FD0];
	(tm) =	ssettm $0x1  }
0x91: {  	s18 =	sld [smem:$0x3FFB];
	_ =	sdelay $0x3  }
0x92: {  	_ =	strace s18  }
0x93: {  	s3 =	sld [smem:$0x3FFC];
	_ =	sdelay $0x3  }
0x94: {  	_ =	strace s3  }
0x95: {  	s3 =	sld [smem:$0x3FFD];
	_ =	sdelay $0x3  }
0x96: {  	_ =	strace s3  }
0x97: {  	_ =	strace $0x8FFFFFFF  }
0x98: {  	s19 =	sld [smem:$0x3FDB];
	_ =	sdelay $0x1  }
0x99: {  	s4 =	simm.s32 $_scs_section_size  }
0x9a: {  	s5 =	simm.s32 $_size__tile_overlayer_lowered;
	s6 =	simm.s32 $_tile_overlayer_lowered  }
0x9b: {  	s22 =	simm.s32 $0x1BFF;
	s21 =	sshll.u32 s6, $0x1;
	s3 =	sadd.s32 s4, s19  }
0x9c: {  	s7 =	simm.s32 $0x0;
	s20 =	sshll.u32 s5, $0x1;
	s5 =	sadd.s32 s21, s3  }
0x9d: {  	[timem:s7], [sflag:s22] =	dma.local [hbm:s5], s20  }
0x9e: {  	_ =	swait.ge [sflag:s22], s20  }
0x9f: {  	s4 =	ssub.s32 $0x0, s20;
	[sflag:s22] =	ssyncset.done $0x0  }
0xa0: {  	[sflag:s22] =	ssyncadd.s32 s4;
	_ =	sdelay $0x1  }
0xa1: {  	s23 =	simm.s32 $0x1B8B  }
0xa2: {  	_ =	swait.ge [sflag:s23], $0x1  }
0xa3: {  	[sflag:s23] =	ssyncset.done $0x0  }
0xa4: {  	s25 =	simm.s32 $0x1B8E;
	s24 =	sld [smem:$0x3FFE];
	[sflag:s23] =	ssyncadd.s32 $0xFFFFFFFF  }
0xa5: {  	s26 =	simm.s32 $execute0_lowered;
	[smem:$0x3FD2] =	sst s25  }
0xa6: {  	s5 =	sshll.u32 s26, $0x1;
	_ =	strace $0x8000004C;
	[dreg:$0x1] =	wrdreg $0xFFFFFFFF  }
0xa7: {  	s28 =	simm.s32 $_size_execute0_lowered;
	s3 =	sadd.s32 s3, s5;
	[dreg:$0x0] =	wrdreg $0x0  }
0xa8: {  	s5 =	sshll.u32 s28, $0x1;
	[dreg:$0x2] =	wrdreg s3  }
0xa9: {  	[dreg:$0x3] =	wrdreg s5  }
0xaa: {  	[dreg:$0x4] =	wrdreg $0xC0  }
0xab: {  	_ =	task [dreg:s7], $0x5FFFF  }
0xac: {  	[dreg:$0x1] =	wrdreg $0xFFFFFFFF  }
0xad: {  	[dreg:$0x0] =	wrdreg $0x60  }
0xae: {  	[dreg:$0x2] =	wrdreg s24  }
0xaf: {  	[dreg:$0x3] =	wrdreg s2  }
0xb0: {  	[dreg:$0x4] =	wrdreg $0xA8000  }
0xb1: {  	[dreg:$0x5] =	wrdreg $0x9  }
0xb2: {  	_ =	task.clear_ibuf [dreg:s7], $0x6FFFF;
	_ =	strace $0x9000004C  }
0xb3: {  	s29 =	simm.s32 $0x9;
	_ =	strace $0x8000004E  }
0xb4: {  	_ =	swait.ge [sflag:s29], $0x1  }
0xb5: {  	[sflag:s29] =	ssyncadd.s32 $0xFFFFFFFF  }
0xb6: {  	_ =	strace $0x9000004E  }
0xb7: {  	_ =	sfence  }
0xb8: {  	s30 =	sld [smem:$0x0];
	_ =	sdelay $0x2  }
0xb9: {  	s31 =	sshll.u32 s1, $0xD;
	s1 =	sshrl.u32 s1, $0x2  }
0xba: {  	s3 =	sand.u32 $0x4000, s31;
	s1 =	sadd.s32 s1, s30  }
0xbb: {  	s0 =	sor.u32 s3, s0;
	s1 =	sshll.u32 s1, $0x11  }
0xbc: {  	s0 =	sor.u32 s1, s0  }
0xbd: {  	s0 =	sadd.s32 $0x8F2B, s0  }
0xbe: {  	[sflag:s0] =	ssyncadd.remote.s32 $0x1  }
0xbf: {  	_ =	sfence.sel $0xFFFF  }
0xc0: {  	[dreg:$0x0] =	wrdreg $0xFFFFFFFF;
	(pc) =	sbr.abs _section_cstart, $3  }
0xc1: {  	[dreg:$0x1] =	wrdreg $0xFFFFFFFF  }
0xc2: {  	_ =	task.clear_ibuf [dreg:s7], $0x2FFFF;
	_ =	strace $0x9FFFFFFF  }
0xc3: {  	(tm) =	ssettm $0x7FFFFFFF  }
tec
execute0_lowered:
.L_overlay_start_1:
0x0: {  	(tag) =	ssettag $0x1  }
0x1: {  	s6 =	rddreg [dreg:$0x0]  }
0x2: {  	s10 =	rddreg [dreg:$0x1]  }
0x3: {  	s1 =	rddreg [dreg:$0x2]  }
0x4: {  	s2 =	srdreg.scid;
	s0 =	rddreg [dreg:$0x3];
	s3 =	simm.s32 $0x0  }
0x5: {  	s16 =	simm.s32 $0x80;
	s17 =	simm.s32 $0x2800;
	s18 =	simm.s32 $0x6800  }
0x6: {  	s19 =	simm.s32 $0x1;
	s20 =	simm.s32 $0x2;
	s21 =	simm.s32 $0x2700  }
0x7: {  	s22 =	simm.s32 $0x2780;
	s7 =	sand.u32 $0x1, s2;
	s2 =	stileid.u32  }
0x8: {  	s23 =	simm.s32 $0x0;
	[smem:$0x7FF] =	sst s3;
	s5 =	smul.u32 $0x140000, s7  }
0x9: {  	s4 =	sadd.s32 $0x6C00, s6;
	s9 =	sadd.s32 $0x7EC00, s6;
	s8 =	smul.u32 $0x14000, s2  }
0xa: {  	_ =	strace $0x8000004D;
	s11 =	sshll.u32 s7, $0x4;
	s7 =	ssub.s32 $0x2, s7  }
0xb: {  	s12 =	smul.u32 $0x50000, s2;
	s31 =	sshll.u32 s2, $0x6;
	s11 =	sor.u32 s2, s11  }
0xc: {  	s28 =	sshrl.u32 s7, $0x1;
	s8 =	sadd.s32 s8, s5;
	s5 =	sadd.s32 $0x4400, s6  }
0xd: {  	s29 =	smul.u32 $0x2800, s11;
	s14 =	ssub.s32 s7, s28;
	s30 =	sshrl.u32 s12, $0x2  }
0xe: {  	s8 =	sshrl.u32 s8, $0x3;
	s15 =	sadd.s32 s30, s1;
	s12 =	smax.u32 s14, $0x1  }
0xf: {  	s14 =	simm.s32 $0x3;
	s13 =	sadd.s32 s8, s6;
	s11 =	sshrl.u32 s29, $0x3  }
0x10: {  	s7 =	sadd.s32 s9, s11;
	s8 =	sadd.s32 s10, s11;
	s11 =	sadd.s32 $0x280, s11  }
0x11: {  	s6 =	sor.u32 $0x1C03, s31;
	s9 =	sadd.s32 s9, s11;
	s10 =	sadd.s32 s10, s11  }
0x12: {  	s11 =	sadd.s32 $0x88C00, s13;
	s13 =	sshrl.u32 s15, $0x3;
	s15 =	simm.s32 $0x1400  }
.LBB2_1:
0x13: {  	[spmem:s13], [sflag:s6] =	dma.local [hbm:s5], $0x2800  }
0x14: {  	_ =	swait.ge [sflag:s14], $0x2800  }
0x15: {  	[sflag:s14] =	ssyncset.done $0x0  }
0x16: {  	[sflag:s14] =	ssyncadd.s32 $0xFFFFD800  }
0x17: {  	[bflag:$0x0] =	sbarrier.arrive $0xFFFF  }
0x18: {  	[tilespmem:s3], [sflag:$0x3] =	stream.linear.gather [hbm4b:s7+s3], $0x1400, $0x38;
	[tilespmem:$0x1E800] =	vst v63  }
0x19: {  	_ =	swait.ge [sflag:s14], $0x1400  }
0x1a: {  	[sflag:s14] =	ssyncset.done $0x0  }
0x1b: {  	[sflag:s14] =	ssyncadd.s32 $0xFFFFEC00  }
0x1c: {  	[tilespmem:s15], [sflag:$0x3] =	stream.linear.gather [hbm4b:s8+s3], $0x1400, $0x38;
	[tilespmem:$0x1E800] =	vst v63  }
0x1d: {  	_ =	swait.ge [sflag:s14], $0x1400  }
0x1e: {  	[sflag:s14] =	ssyncset.done $0x0  }
0x1f: {  	[sflag:s14] =	ssyncadd.s32 $0xFFFFEC00  }
0x20: {  	[tilespmem:s17], [sflag:$0x1] =	stream.indirect.gather [hbm4b:s4+s16], $0x80, s3, s16, $0xb8;
	[tilespmem:$0x1E800] =	vst v63  }
0x21: {  	_ = 	snop  }
0x22: {  	[tilespmem:s18], [sflag:$0x2] =	stream.indirect.gather [hbm4b:s4+s16], $0x80, s16, s16, $0xb8;
	[tilespmem:$0x1E800] =	vst v63  }
0x23: {  	_ =	swait.ge [sflag:s19], $0x4000  }
0x24: {  	[sflag:s19] =	ssyncset.done $0x0  }
0x25: {  	s24 =	simm.s32 $0x1400;
	[sflag:s19] =	ssyncadd.s32 $0xFFFFC000  }
0x26: {  	[spmem:s1] =	stream.indirect.scatter.add.f32 [tilespmem:s17], [sflag:$0x3], $0x80, s24, s16, $0xb8;
	[tilespmem:$0x1E800] =	vst v63  }
0x27: {  	_ =	swait.ge [sflag:s14], $0x4000  }
0x28: {  	[sflag:s14] =	ssyncset.done $0x0  }
0x29: {  	s30 =	simm.s32 $0x100;
	[sflag:s14] =	ssyncadd.s32 $0xFFFFC000  }
0x2a: {  	[tilespmem:s17], [sflag:$0x1] =	stream.indirect.gather [hbm4b:s4+s16], $0x80, s30, s16, $0xb8;
	[tilespmem:$0x1E800] =	vst v63  }
0x2b: {  	_ =	swait.ge [sflag:s20], $0x4000  }
0x2c: {  	[sflag:s20] =	ssyncset.done $0x0  }
0x2d: {  	s31 =	simm.s32 $0x1480;
	[sflag:s20] =	ssyncadd.s32 $0xFFFFC000  }
0x2e: {  	[spmem:s1] =	stream.indirect.scatter.add.f32 [tilespmem:s18], [sflag:$0x3], $0x80, s31, s16, $0xb8;
	[tilespmem:$0x1E800] =	vst v63  }
0x2f: {  	_ =	swait.ge [sflag:s14], $0x4000  }
0x30: {  	[sflag:s14] =	ssyncset.done $0x0  }
0x31: {  	s25 =	simm.s32 $0x180;
	s24 =	simm.s32 $0x400;
	[sflag:s14] =	ssyncadd.s32 $0xFFFFC000  }
.LBB2_2:
0x32: {  	[tilespmem:s18], [sflag:$0x2] =	stream.indirect.gather [hbm4b:s4+s16], $0x80, s25, s16, $0xb8;
	[tilespmem:$0x1E800] =	vst v63  }
0x33: {  	s25 =	smov.u32 s24  }
0x34: {  	p0 =	sne.s32 s24, $0x4800;
	s24 =	sadd.s32 $0x400, s24;
	_ =	swait.ge [sflag:s19], $0x4000  }
0x35: {  	s25 =	sshra.s32 s25, $0x2;
	[sflag:s19] =	ssyncset.done $0x0  }
0x36: {  	s26 =	sadd.s32 $0x1400, s25;
	[sflag:s19] =	ssyncadd.s32 $0xFFFFC000  }
0x37: {  	[spmem:s1] =	stream.indirect.scatter.add.f32 [tilespmem:s17], [sflag:$0x3], $0x80, s26, s16, $0xb8;
	[tilespmem:$0x1E800] =	vst v63  }
0x38: {  	_ =	swait.ge [sflag:s14], $0x4000  }
0x39: {  	[sflag:s14] =	ssyncset.done $0x0  }
0x3a: {  	s26 =	sadd.s32 $0x100, s25;
	[sflag:s14] =	ssyncadd.s32 $0xFFFFC000  }
0x3b: {  	[tilespmem:s17], [sflag:$0x1] =	stream.indirect.gather [hbm4b:s4+s16], $0x80, s26, s16, $0xb8;
	[tilespmem:$0x1E800] =	vst v63  }
0x3c: {  	_ =	swait.ge [sflag:s20], $0x4000  }
0x3d: {  	[sflag:s20] =	ssyncset.done $0x0  }
.Ltmp0:
0x3e: {  	s26 =	sadd.s32 $0x1480, s25;
	[sflag:s20] =	ssyncadd.s32 $0xFFFFC000;
	(pc) =	sbr.rel @p0 .LBB2_2-.Ltmp0, $4  }
0x3f: {  	[spmem:s1] =	stream.indirect.scatter.add.f32 [tilespmem:s18], [sflag:$0x3], $0x80, s26, s16, $0xb8;
	[tilespmem:$0x1E800] =	vst v63  }
0x40: {  	_ =	swait.ge [sflag:s14], $0x4000  }
0x41: {  	[sflag:s14] =	ssyncset.done $0x0  }
0x42: {  	s25 =	sadd.s32 $0x180, s25;
	[sflag:s14] =	ssyncadd.s32 $0xFFFFC000  }
0x43: {  	[tilespmem:s18], [sflag:$0x2] =	stream.indirect.gather [hbm4b:s4+s16], $0x80, s25, s16, $0xb8;
	[tilespmem:$0x1E800] =	vst v63  }
0x44: {  	_ =	swait.ge [sflag:s19], $0x4000  }
0x45: {  	[sflag:s19] =	ssyncset.done $0x0  }
0x46: {  	[sflag:s19] =	ssyncadd.s32 $0xFFFFC000  }
0x47: {  	[spmem:s1] =	stream.indirect.scatter.add.f32 [tilespmem:s17], [sflag:$0x3], $0x80, s21, s16, $0xb8;
	[tilespmem:$0x1E800] =	vst v63  }
0x48: {  	_ =	swait.ge [sflag:s14], $0x4000  }
0x49: {  	[sflag:s14] =	ssyncset.done $0x0  }
0x4a: {  	[sflag:s14] =	ssyncadd.s32 $0xFFFFC000  }
0x4b: {  	_ =	swait.ge [sflag:s20], $0x4000  }
0x4c: {  	[sflag:s20] =	ssyncset.done $0x0  }
0x4d: {  	[sflag:s20] =	ssyncadd.s32 $0xFFFFC000  }
0x4e: {  	[spmem:s1] =	stream.indirect.scatter.add.f32 [tilespmem:s18], [sflag:$0x3], $0x80, s22, s16, $0xb8;
	[tilespmem:$0x1E800] =	vst v63  }
0x4f: {  	_ =	swait.ge [sflag:s14], $0x4000  }
0x50: {  	[sflag:s14] =	ssyncset.done $0x0  }
0x51: {  	s24 =	simm.s32 $0x0;
	[sflag:s14] =	ssyncadd.s32 $0xFFFFC000  }
0x52: {  	[tilespmem:s24], [sflag:$0x3] =	stream.linear.gather [hbm4b:s9+s24], $0x1400, $0x38;
	[tilespmem:$0x1E800] =	vst v63  }
0x53: {  	_ =	swait.ge [sflag:s14], $0x1400  }
0x54: {  	[sflag:s14] =	ssyncset.done $0x0  }
0x55: {  	[sflag:s14] =	ssyncadd.s32 $0xFFFFEC00  }
0x56: {  	[tilespmem:s15], [sflag:$0x3] =	stream.linear.gather [hbm4b:s10+s24], $0x1400, $0x38;
	[tilespmem:$0x1E800] =	vst v63  }
0x57: {  	_ =	swait.ge [sflag:s14], $0x1400  }
0x58: {  	[sflag:s14] =	ssyncset.done $0x0  }
0x59: {  	[sflag:s14] =	ssyncadd.s32 $0xFFFFEC00  }
0x5a: {  	[tilespmem:s17], [sflag:$0x1] =	stream.indirect.gather [hbm4b:s4+s16], $0x80, s24, s16, $0xb8;
	[tilespmem:$0x1E800] =	vst v63  }
0x5b: {  	_ = 	snop  }
0x5c: {  	[tilespmem:s18], [sflag:$0x2] =	stream.indirect.gather [hbm4b:s4+s16], $0x80, s16, s16, $0xb8;
	[tilespmem:$0x1E800] =	vst v63  }
0x5d: {  	_ =	swait.ge [sflag:s19], $0x4000  }
0x5e: {  	[sflag:s19] =	ssyncset.done $0x0  }
0x5f: {  	s29 =	simm.s32 $0x1400;
	[sflag:s19] =	ssyncadd.s32 $0xFFFFC000  }
0x60: {  	[spmem:s1] =	stream.indirect.scatter.add.f32 [tilespmem:s17], [sflag:$0x3], $0x80, s29, s16, $0xb8;
	[tilespmem:$0x1E800] =	vst v63  }
0x61: {  	_ =	swait.ge [sflag:s14], $0x4000  }
0x62: {  	[sflag:s14] =	ssyncset.done $0x0  }
0x63: {  	s30 =	simm.s32 $0x100;
	[sflag:s14] =	ssyncadd.s32 $0xFFFFC000  }
0x64: {  	[tilespmem:s17], [sflag:$0x1] =	stream.indirect.gather [hbm4b:s4+s16], $0x80, s30, s16, $0xb8;
	[tilespmem:$0x1E800] =	vst v63  }
0x65: {  	_ =	swait.ge [sflag:s20], $0x4000  }
0x66: {  	[sflag:s20] =	ssyncset.done $0x0  }
0x67: {  	s31 =	simm.s32 $0x1480;
	[sflag:s20] =	ssyncadd.s32 $0xFFFFC000  }
0x68: {  	[spmem:s1] =	stream.indirect.scatter.add.f32 [tilespmem:s18], [sflag:$0x3], $0x80, s31, s16, $0xb8;
	[tilespmem:$0x1E800] =	vst v63  }
0x69: {  	_ =	swait.ge [sflag:s14], $0x4000  }
0x6a: {  	[sflag:s14] =	ssyncset.done $0x0  }
0x6b: {  	s25 =	simm.s32 $0x180;
	s24 =	simm.s32 $0x400;
	[sflag:s14] =	ssyncadd.s32 $0xFFFFC000  }
.LBB2_4:
0x6c: {  	[tilespmem:s18], [sflag:$0x2] =	stream.indirect.gather [hbm4b:s4+s16], $0x80, s25, s16, $0xb8;
	[tilespmem:$0x1E800] =	vst v63  }
0x6d: {  	s25 =	smov.u32 s24  }
0x6e: {  	p0 =	sne.s32 s24, $0x4800;
	s24 =	sadd.s32 $0x400, s24;
	_ =	swait.ge [sflag:s19], $0x4000  }
0x6f: {  	s25 =	sshra.s32 s25, $0x2;
	[sflag:s19] =	ssyncset.done $0x0  }
0x70: {  	s26 =	sadd.s32 $0x1400, s25;
	[sflag:s19] =	ssyncadd.s32 $0xFFFFC000  }
0x71: {  	[spmem:s1] =	stream.indirect.scatter.add.f32 [tilespmem:s17], [sflag:$0x3], $0x80, s26, s16, $0xb8;
	[tilespmem:$0x1E800] =	vst v63  }
0x72: {  	_ =	swait.ge [sflag:s14], $0x4000  }
0x73: {  	[sflag:s14] =	ssyncset.done $0x0  }
0x74: {  	s26 =	sadd.s32 $0x100, s25;
	[sflag:s14] =	ssyncadd.s32 $0xFFFFC000  }
0x75: {  	[tilespmem:s17], [sflag:$0x1] =	stream.indirect.gather [hbm4b:s4+s16], $0x80, s26, s16, $0xb8;
	[tilespmem:$0x1E800] =	vst v63  }
0x76: {  	_ =	swait.ge [sflag:s20], $0x4000  }
0x77: {  	[sflag:s20] =	ssyncset.done $0x0  }
.Ltmp1:
0x78: {  	s26 =	sadd.s32 $0x1480, s25;
	[sflag:s20] =	ssyncadd.s32 $0xFFFFC000;
	(pc) =	sbr.rel @p0 .LBB2_4-.Ltmp1, $4  }
0x79: {  	[spmem:s1] =	stream.indirect.scatter.add.f32 [tilespmem:s18], [sflag:$0x3], $0x80, s26, s16, $0xb8;
	[tilespmem:$0x1E800] =	vst v63  }
0x7a: {  	_ =	swait.ge [sflag:s14], $0x4000  }
0x7b: {  	[sflag:s14] =	ssyncset.done $0x0  }
0x7c: {  	s25 =	sadd.s32 $0x180, s25;
	[sflag:s14] =	ssyncadd.s32 $0xFFFFC000  }
0x7d: {  	[tilespmem:s18], [sflag:$0x2] =	stream.indirect.gather [hbm4b:s4+s16], $0x80, s25, s16, $0xb8;
	[tilespmem:$0x1E800] =	vst v63  }
0x7e: {  	_ =	swait.ge [sflag:s19], $0x4000  }
0x7f: {  	[sflag:s19] =	ssyncset.done $0x0  }
0x80: {  	[sflag:s19] =	ssyncadd.s32 $0xFFFFC000  }
0x81: {  	[spmem:s1] =	stream.indirect.scatter.add.f32 [tilespmem:s17], [sflag:$0x3], $0x80, s21, s16, $0xb8;
	[tilespmem:$0x1E800] =	vst v63  }
0x82: {  	_ =	swait.ge [sflag:s14], $0x4000  }
0x83: {  	[sflag:s14] =	ssyncset.done $0x0  }
0x84: {  	[sflag:s14] =	ssyncadd.s32 $0xFFFFC000  }
0x85: {  	_ =	swait.ge [sflag:s20], $0x4000  }
0x86: {  	[sflag:s20] =	ssyncset.done $0x0  }
0x87: {  	[sflag:s20] =	ssyncadd.s32 $0xFFFFC000  }
0x88: {  	[spmem:s1] =	stream.indirect.scatter.add.f32 [tilespmem:s18], [sflag:$0x3], $0x80, s22, s16, $0xb8;
	[tilespmem:$0x1E800] =	vst v63  }
0x89: {  	_ =	swait.ge [sflag:s14], $0x4000  }
0x8a: {  	s23 =	sadd.s32 $0x1, s23;
	[sflag:s14] =	ssyncset.done $0x0  }
0x8b: {  	p0 =	sne.s32 s23, s12;
	[sflag:s14] =	ssyncadd.s32 $0xFFFFC000  }
.Ltmp2:
0x8c: {  	[bflag:$0x0] =	sbarrier.arrive $0xFFFF;
	(pc) =	sbr.rel @p0 .LBB2_1-.Ltmp2, $4  }
0x8d: {  	[hbm:s11], [sflag:s6] =	dma.local [spmem:s13], $0x2800  }
0x8e: {  	_ =	swait.ge [sflag:s14], $0x2800  }
0x8f: {  	[sflag:s14] =	ssyncset.done $0x0  }
0x90: {  	[sflag:s14] =	ssyncadd.s32 $0xFFFFD800  }
0x91: {  	_ =	sfence.sel $0x180000  }
0x92: {  	[bflag:$0x0] =	sbarrier.arrive $0xFFFF  }
0x93: {  	p0 =	sne.s32 s2, $0x0;
	_ =	strace $0x9000004D  }
0x94: {  	s0 =	sadd.s32 @!p0 $0x100000, s0;
	[bflag:$0x2] =	sbarrier.arrive $0xFFFF  }
0x95: {  	[sflag:s0] =	ssyncadd.tile.s32 @!p0 $0x1;
	_ =	shalt  }
.Lfunc_end2:
_tile_overlayer_lowered:
.L_overlay_start_2:
0x96: {  	(tag) =	ssettag $0x2  }
0x97: {  	s0 =	rddreg [dreg:$0x0];
	s2 =	stileid.u32  }
0x98: {  	s1 =	rddreg [dreg:$0x1];
	p0 =	sne.s32 s2, $0x0  }
0x99: {  	s3 =	rddreg [dreg:$0x2];
	[bflag:$0x3] =	sbarrier.arrive $0xFFFF;
	s2 =	simm.s32 @!p0 $0x1C03  }
0x9a: {  	[timem:s3], [sflag:s2] =	dma.local @!p0 [hbm:s0], s1  }
0x9b: {  	s0 =	simm.s32 @!p0 $0x3  }
0x9c: {  	_ =	swait.ge @!p0 [sflag:s0], s1  }
0x9d: {  	s1 =	ssub.s32 @!p0 $0x0, s1;
	[sflag:s0] =	ssyncset.done @!p0 $0x0  }
0x9e: {  	[sflag:s0] =	ssyncadd.s32 @!p0 s1  }
0x9f: {  	[bflag:$0x3] =	sbarrier.arrive $0xFFFF  }
0xa0: {  	_ =	shalt  }

// kernel: kernel.8.cloned.1.call-start
scs
__scs_entry_jumppad:
0x0: {  	(pc) =	sbr.rel $0x88, $3  }
0x1: {  	(tag) =	ssettag $0x0;
	lr =	simm.s32 $0x1  }
0x2: {  	[smem:$0x3F98] =	sst lr;
	_ =	strace $0xD0000000  }
0x3: {  	_ = 	snop  }
0x4: {  	_ = 	snop  }
0x5: {  	_ = 	snop  }
0x6: {  	_ = 	snop  }
0x7: {  	_ = 	snop  }
__scs_overlays_trampoline_lowered:
0x8: {  	[smem:$0x3FA7] =	sst s0  }
0x9: {  	[smem:$0x3FA8] =	sst s1  }
0xa: {  	[smem:$0x3FA9] =	sst s2  }
0xb: {  	[smem:$0x3FAA] =	sst s3  }
0xc: {  	[smem:$0x3FAB] =	sst s4  }
0xd: {  	[smem:$0x3FAC] =	sst s5  }
0xe: {  	[smem:$0x3FAD] =	sst s6  }
0xf: {  	[smem:$0x3FAE] =	sst s7  }
0x10: {  	[smem:$0x3FAF] =	sst s8  }
0x11: {  	[smem:$0x3FB0] =	sst s9;
	s0 =	simm.s32 @!p0 $0x0  }
0x12: {  	s1 =	sld [smem:$0x3F96];
	s0 =	simm.s32 @p0 $0x1  }
0x13: {  	[smem:$0x3FB1] =	sst s0;
	s0 =	simm.s32 @!p1 $0x0  }
0x14: {  	s2 =	sld [smem:$0x3F95];
	s0 =	simm.s32 @p1 $0x1  }
0x15: {  	[smem:$0x3FB2] =	sst s0;
	s0 =	simm.s32 @!p2 $0x0  }
0x16: {  	s3 =	sld [smem:$0x3FDB];
	s0 =	simm.s32 @p2 $0x1  }
0x17: {  	s4 =	simm.s32 $0x1BF5;
	[smem:$0x3FB4] =	sst s0  }
0x18: {  	s0 =	sld [smem:$0x3F97];
	_ =	swait.ge [sflag:s4], $0x0  }
0x19: {  	s7 =	sld [smem:$0x3F98]  }
0x1a: {  	s8 =	sadd.s32 $0xFFFFE003, lr  }
0x1b: {  	s9 =	sadd.s32 $0xFFFFFEF7, lr;
	s5 =	simm.s32 $0xFFFFFFFF;
	p2 =	slt.u32 s8, $0xFFFFF086  }
0x1c: {  	p1 =	slt.u32 s9, $0xF7A;
	s5 =	simm.s32 @!p2 $0x0  }
0x1d: {  	s5 =	simm.s32 @p1 $0x1;
	p0 =	seq.s32 s7, s2  }
0x1e: {  	s7 =	smul.u32 @!p0 $0xF7A, s2;
	p2 =	seq.s32 @!p0 s5, $0x0  }
0x1f: {  	s9 =	smul.u32 $0xF7A, s1;
	s8 =	simm.s32 @!p0 $0x1BF5;
	p2 =	por !p2, p0  }
0x20: {  	[sflag:s8] =	ssyncset.s32 @!p0 $0xFFFFF086;
	s6 =	sadd.s32 @!p0 s3, s7;
	s7 =	simm.s32 @!p0 $0x108  }
0x21: {  	s3 =	sadd.s32 s3, s9;
	s6 =	sadd.s32 @!p0 $0x88, s6;
	s7 =	simm.s32 @p2 $0x1082  }
0x22: {  	[simem:s7], [sflag:s8] =	dma.local @!p0 [hbm:s6], $0xF7A  }
0x23: {  	s9 =	sor.u32 $0xD0000000, s2;
	s6 =	simm.s32 $0x108;
	_ =	swait.ge @!p0 [sflag:s8], $0x0  }
0x24: {  	s3 =	sadd.s32 $0x88, s3;
	s6 =	simm.s32 @!p1 $0x1082;
	[sflag:s4] =	ssyncset.s32 $0xFFFFF086  }
0x25: {  	[simem:s6], [sflag:s4] =	dma.local [hbm:s3], $0xF7A  }
0x26: {  	[smem:$0x3F98] =	sst s1;
	(tag) =	ssettag s2;
	_ =	strace s9  }
0x27: {  	s1 =	sld [smem:$0x3FA8]  }
0x28: {  	s2 =	sld [smem:$0x3FA9]  }
0x29: {  	s4 =	sld [smem:$0x3FAB]  }
0x2a: {  	p0 =	seq.s32 s5, $0x0;
	s5 =	sld [smem:$0x3FAC]  }
0x2b: {  	s6 =	sld [smem:$0x3FAD]  }
0x2c: {  	s7 =	sld [smem:$0x3FAE]  }
0x2d: {  	s3 =	simm.s32 $0x108;
	s8 =	sld [smem:$0x3FAF]  }
0x2e: {  	s3 =	simm.s32 @!p0 $0x1082;
	s9 =	sld [smem:$0x3FB0]  }
0x2f: {  	lr =	sadd.s32 s0, s3;
	s0 =	sld [smem:$0x3FA7]  }
0x30: {  	s3 =	sld [smem:$0x3FAA]  }
0x31: {  	[smem:$0x3FB3] =	sst s10  }
0x32: {  	s10 =	sld [smem:$0x3FB1];
	_ =	sdelay $0x3  }
0x33: {  	p0 =	seq.s32 s10, $0x1;
	s10 =	sld [smem:$0x3FB3];
	_ =	sdelay $0x3  }
0x34: {  	[smem:$0x3FB3] =	sst s10  }
0x35: {  	s10 =	sld [smem:$0x3FB2];
	_ =	sdelay $0x3  }
0x36: {  	p1 =	seq.s32 s10, $0x1;
	s10 =	sld [smem:$0x3FB3];
	_ =	sdelay $0x3  }
0x37: {  	[smem:$0x3FB3] =	sst s10  }
0x38: {  	s10 =	sld [smem:$0x3FB4]  }
0x39: {  	_ = 	snop;
	(pc) =	sbr.ind lr, $3  }
0x3a: {  	_ = 	snop  }
0x3b: {  	_ = 	snop  }
0x3c: {  	p2 =	seq.s32 s10, $0x1;
	s10 =	sld [smem:$0x3FB3]  }
0x3d: {  	_ =	shalt  }
0x3e: {  	_ =	shalt  }
0x3f: {  	_ =	shalt  }
0x40: {  	_ =	shalt  }
0x41: {  	_ =	shalt  }
0x42: {  	_ =	shalt  }
0x43: {  	_ =	shalt  }
0x44: {  	_ =	shalt  }
0x45: {  	_ =	shalt  }
0x46: {  	_ =	shalt  }
0x47: {  	_ =	shalt  }
0x48: {  	_ =	shalt  }
0x49: {  	_ =	shalt  }
0x4a: {  	_ =	shalt  }
0x4b: {  	_ =	shalt  }
0x4c: {  	_ =	shalt  }
0x4d: {  	_ =	shalt  }
0x4e: {  	_ =	shalt  }
0x4f: {  	_ =	shalt  }
0x50: {  	_ =	shalt  }
0x51: {  	_ =	shalt  }
0x52: {  	_ =	shalt  }
0x53: {  	_ =	shalt  }
0x54: {  	_ =	shalt  }
0x55: {  	_ =	shalt  }
0x56: {  	_ =	shalt  }
0x57: {  	_ =	shalt  }
0x58: {  	_ =	shalt  }
0x59: {  	_ =	shalt  }
0x5a: {  	_ =	shalt  }
0x5b: {  	_ =	shalt  }
0x5c: {  	_ =	shalt  }
0x5d: {  	_ =	shalt  }
0x5e: {  	_ =	shalt  }
0x5f: {  	_ =	shalt  }
0x60: {  	_ =	shalt  }
0x61: {  	_ =	shalt  }
0x62: {  	_ =	shalt  }
0x63: {  	_ =	shalt  }
0x64: {  	_ =	shalt  }
0x65: {  	_ =	shalt  }
0x66: {  	_ =	shalt  }
0x67: {  	_ =	shalt  }
0x68: {  	_ =	shalt  }
0x69: {  	_ =	shalt  }
0x6a: {  	_ =	shalt  }
0x6b: {  	_ =	shalt  }
0x6c: {  	_ =	shalt  }
0x6d: {  	_ =	shalt  }
0x6e: {  	_ =	shalt  }
0x6f: {  	_ =	shalt  }
0x70: {  	_ =	shalt  }
0x71: {  	_ =	shalt  }
0x72: {  	_ =	shalt  }
0x73: {  	_ =	shalt  }
0x74: {  	_ =	shalt  }
0x75: {  	_ =	shalt  }
0x76: {  	_ =	shalt  }
0x77: {  	_ =	shalt  }
0x78: {  	_ =	shalt  }
0x79: {  	_ =	shalt  }
0x7a: {  	_ =	shalt  }
0x7b: {  	_ =	shalt  }
0x7c: {  	_ =	shalt  }
0x7d: {  	_ =	shalt  }
0x7e: {  	_ =	shalt  }
0x7f: {  	_ =	shalt  }
0x80: {  	_ =	shalt  }
0x81: {  	_ =	shalt  }
0x82: {  	_ =	shalt  }
0x83: {  	_ =	shalt  }
0x84: {  	_ =	shalt  }
0x85: {  	_ =	shalt  }
0x86: {  	_ =	shalt  }
0x87: {  	_ =	shalt  }
.Lfunc_end0:
.L_simem_size_0:
called_computation_lowered:
.L_overlay_start_0:
0x88: {  	s2 =	sld [smem:$0x3FD9]  }
0x89: {  	s3 =	sld [smem:$0x3FFE];
	_ =	sdelay $0x1  }
0x8a: {  	s1 =	srdreg.scid  }
0x8b: {  	s0 =	sand.u32 $0x1, s1  }
0x8c: {  	s17 =	sshll.u32 s0, $0xA;
	s2 =	sadd.s32 s3, s2  }
0x8d: {  	s2 =	sadd.s32 s2, s17  }
0x8e: {  	[smem:$0x3FBF] =	sst s2  }
0x8f: {  	_ = 	snop  }
0x90: {  	s2 =	sld [smem:$0x3FC7]  }
0x91: {  	s18 =	sld [smem:$0x3FD0];
	(tm) =	ssettm $0x1  }
0x92: {  	s4 =	sld [smem:$0x3FFB];
	_ =	sdelay $0x3  }
0x93: {  	_ =	strace s4  }
0x94: {  	s4 =	sld [smem:$0x3FFC];
	_ =	sdelay $0x3  }
0x95: {  	_ =	strace s4  }
0x96: {  	s4 =	sld [smem:$0x3FFD];
	_ =	sdelay $0x3  }
0x97: {  	_ =	strace s4  }
0x98: {  	_ =	strace $0x8FFFFFFF  }
0x99: {  	s19 =	sld [smem:$0x3FDB];
	_ =	sdelay $0x1  }
0x9a: {  	s5 =	simm.s32 $_scs_section_size  }
0x9b: {  	s6 =	simm.s32 $_size__tile_overlayer_lowered;
	s7 =	simm.s32 $_tile_overlayer_lowered  }
0x9c: {  	s22 =	simm.s32 $0x1BFF;
	s21 =	sshll.u32 s7, $0x1;
	s4 =	sadd.s32 s5, s19  }
0x9d: {  	s8 =	simm.s32 $0x0;
	s20 =	sshll.u32 s6, $0x1;
	s6 =	sadd.s32 s21, s4  }
0x9e: {  	[timem:s8], [sflag:s22] =	dma.local [hbm:s6], s20  }
0x9f: {  	_ =	swait.ge [sflag:s22], s20  }
0xa0: {  	s5 =	ssub.s32 $0x0, s20;
	[sflag:s22] =	ssyncset.done $0x0  }
0xa1: {  	[sflag:s22] =	ssyncadd.s32 s5;
	_ =	sdelay $0x1  }
0xa2: {  	s23 =	simm.s32 $0x1B8B  }
0xa3: {  	_ =	swait.ge [sflag:s23], $0x1  }
0xa4: {  	[sflag:s23] =	ssyncset.done $0x0  }
0xa5: {  	s25 =	simm.s32 $0x1B8E;
	s24 =	sld [smem:$0x3FFE];
	[sflag:s23] =	ssyncadd.s32 $0xFFFFFFFF  }
0xa6: {  	s26 =	simm.s32 $execute0_lowered;
	[smem:$0x3FD2] =	sst s25  }
0xa7: {  	s6 =	sshll.u32 s26, $0x1;
	_ =	strace $0x80000046;
	[dreg:$0x1] =	wrdreg $0xFFFFFFFF  }
0xa8: {  	s28 =	simm.s32 $_size_execute0_lowered;
	s4 =	sadd.s32 s4, s6;
	[dreg:$0x0] =	wrdreg $0x0  }
0xa9: {  	s6 =	sshll.u32 s28, $0x1;
	[dreg:$0x2] =	wrdreg s4  }
0xaa: {  	[dreg:$0x3] =	wrdreg s6  }
0xab: {  	[dreg:$0x4] =	wrdreg $0xC0  }
0xac: {  	_ =	task [dreg:s8], $0x5FFFF  }
0xad: {  	[dreg:$0x1] =	wrdreg $0xFFFFFFFF  }
0xae: {  	[dreg:$0x0] =	wrdreg $0x60  }
0xaf: {  	[dreg:$0x2] =	wrdreg s2  }
0xb0: {  	[dreg:$0x3] =	wrdreg s24  }
0xb1: {  	[dreg:$0x4] =	wrdreg s18  }
0xb2: {  	[dreg:$0x5] =	wrdreg $0x8C000  }
0xb3: {  	[dreg:$0x6] =	wrdreg $0x9  }
0xb4: {  	_ =	task.clear_ibuf [dreg:s8], $0x7FFFF;
	_ =	strace $0x90000046  }
0xb5: {  	s29 =	simm.s32 $0x9;
	_ =	strace $0x80000048  }
0xb6: {  	_ =	swait.ge [sflag:s29], $0x1  }
0xb7: {  	[sflag:s29] =	ssyncadd.s32 $0xFFFFFFFF  }
0xb8: {  	_ =	strace $0x90000048  }
0xb9: {  	_ =	sfence  }
0xba: {  	s30 =	sld [smem:$0x0];
	_ =	sdelay $0x2  }
0xbb: {  	s31 =	sshll.u32 s1, $0xD;
	s1 =	sshrl.u32 s1, $0x2  }
0xbc: {  	s3 =	sand.u32 $0x4000, s31;
	s1 =	sadd.s32 s1, s30  }
0xbd: {  	s0 =	sor.u32 s3, s0;
	s1 =	sshll.u32 s1, $0x11  }
0xbe: {  	s0 =	sor.u32 s1, s0  }
0xbf: {  	s0 =	sadd.s32 $0x8F2B, s0  }
0xc0: {  	[sflag:s0] =	ssyncadd.remote.s32 $0x1  }
0xc1: {  	_ =	sfence.sel $0xFFFF  }
0xc2: {  	[dreg:$0x0] =	wrdreg $0xFFFFFFFF;
	(pc) =	sbr.abs _section_cstart, $3  }
0xc3: {  	[dreg:$0x1] =	wrdreg $0xFFFFFFFF  }
0xc4: {  	_ =	task.clear_ibuf [dreg:s8], $0x2FFFF;
	_ =	strace $0x9FFFFFFF  }
0xc5: {  	(tm) =	ssettm $0x7FFFFFFF  }
tec
execute0_lowered:
.L_overlay_start_1:
0x0: {  	(tag) =	ssettag $0x1  }
0x1: {  	s0 =	rddreg [dreg:$0x0]  }
0x2: {  	s7 =	rddreg [dreg:$0x1]  }
0x3: {  	s1 =	srdreg.scid;
	s8 =	rddreg [dreg:$0x2]  }
0x4: {  	s3 =	rddreg [dreg:$0x3];
	s2 =	stileid.u32;
	s4 =	simm.s32 $0x0  }
0x5: {  	s16 =	simm.s32 $0x2;
	s17 =	simm.s32 $0x400;
	s18 =	simm.s32 $0x4C00  }
0x6: {  	s21 =	simm.s32 $0x40;
	s22 =	simm.s32 $0x2C00;
	s23 =	simm.s32 $0x1  }
0x7: {  	s24 =	simm.s32 $0x80;
	s25 =	simm.s32 $0x100;
	s28 =	simm.s32 $0x200  }
0x8: {  	s9 =	sand.u32 $0x1, s1;
	s1 =	rddreg [dreg:$0x4];
	s14 =	smul.u32 $0x14000, s2  }
0x9: {  	s29 =	simm.s32 $0x0;
	[smem:$0x7FF] =	sst s4;
	s26 =	smul.u32 $0x50000, s2  }
0xa: {  	s19 =	sshll.u32 s2, $0x6;
	s5 =	sshll.u32 s9, $0x4;
	_ =	strace $0x80000047  }
0xb: {  	s11 =	smul.u32 $0x140000, s9;
	s9 =	ssub.s32 $0x2, s9;
	s19 =	sor.u32 $0x1C02, s19  }
0xc: {  	s10 =	sor.u32 s2, s5;
	s30 =	sshrl.u32 s9, $0x1;
	s31 =	sshrl.u32 s26, $0x2  }
0xd: {  	s26 =	simm.s32 $0x180;
	s5 =	smul.u32 $0xA000, s10;
	s6 =	sshll.u32 s10, $0x7  }
0xe: {  	s11 =	sadd.s32 s14, s11;
	s10 =	smul.u32 $0x500, s10;
	s14 =	ssub.s32 s9, s30  }
0xf: {  	s20 =	sadd.s32 s31, s3;
	s12 =	sadd.s32 s6, s7;
	s6 =	sadd.s32 $0x4400, s7  }
0x10: {  	s11 =	sshrl.u32 s11, $0x3;
	s20 =	sshrl.u32 s20, $0x3;
	s13 =	sshrl.u32 s5, $0x3  }
0x11: {  	s5 =	sadd.s32 $0x3C00, s7;
	s11 =	sadd.s32 s11, s7;
	s8 =	sadd.s32 s8, s10  }
0x12: {  	s10 =	smax.u32 s14, $0x1;
	s15 =	sadd.s32 s13, s7;
	s7 =	sadd.s32 $0x2C00, s12  }
0x13: {  	s9 =	sadd.s32 $0x6C00, s11;
	s11 =	sadd.s32 $0x56C00, s15;
	s12 =	sadd.s32 $0x57000, s15  }
0x14: {  	s13 =	sadd.s32 $0x57400, s15;
	s14 =	sadd.s32 $0x57800, s15;
	s15 =	sadd.s32 $0x57C00, s15  }
.LBB2_1:
0x15: {  	[tilespmem:s4], [sflag:$0x2] =	stream.linear.gather [hbm4b:s7+s4], $0x280, $0x38;
	[tilespmem:$0x1CC00] =	vst v63  }
0x16: {  	_ =	swait.ge [sflag:s16], $0x280  }
0x17: {  	[sflag:s16] =	ssyncset.done $0x0  }
0x18: {  	[sflag:s16] =	ssyncadd.s32 $0xFFFFFD80  }
0x19: {  	[tilespmem:s17], [sflag:$0x2] =	stream.linear.gather [hbm4b:s8+s4], $0x2800, $0x38;
	[tilespmem:$0x1CC00] =	vst v63  }
0x1a: {  	_ =	swait.ge [sflag:s16], $0x2800  }
0x1b: {  	[sflag:s16] =	ssyncset.done $0x0  }
0x1c: {  	[sflag:s16] =	ssyncadd.s32 $0xFFFFD800  }
0x1d: {  	[tilespmem:s18], [sflag:$0x2] =	stream.linear.gather [hbm4b:s5+s4], $0x4000, $0x38;
	[tilespmem:$0x1CC00] =	vst v63  }
0x1e: {  	_ =	swait.ge [sflag:s16], $0x4000  }
0x1f: {  	[sflag:s16] =	ssyncset.done $0x0  }
0x20: {  	[sflag:s16] =	ssyncadd.s32 $0xFFFFC000  }
0x21: {  	[spmem:s20], [sflag:s19] =	dma.local [hbm:s6], $0x2800  }
0x22: {  	_ =	swait.ge [sflag:s16], $0x2800  }
0x23: {  	[sflag:s16] =	ssyncset.done $0x0  }
0x24: {  	[sflag:s16] =	ssyncadd.s32 $0xFFFFD800  }
0x25: {  	[bflag:$0x0] =	sbarrier.arrive $0xFFFF  }
0x26: {  	[tilespmem:s22], [sflag:$0x1] =	stream.indirect.gather [hbm4b:s0+s21], $0x80, s4, s21, $0xb8;
	[tilespmem:$0x1CC00] =	vst v63  }
0x27: {  	_ =	swait.ge [sflag:s23], $0x2000  }
0x28: {  	[sflag:s23] =	ssyncset.done $0x0  }
0x29: {  	[sflag:s23] =	ssyncadd.s32 $0xFFFFE000  }
0x2a: {  	[hbm4b:s11+s4] =	stream.linear.scatter [tilespmem:s22], [sflag:$0x2], $0x2000, $0x38;
	[tilespmem:$0x1CC00] =	vst v63  }
0x2b: {  	_ =	swait.ge [sflag:s16], $0x2000  }
0x2c: {  	[sflag:s16] =	ssyncset.done $0x0  }
0x2d: {  	[sflag:s16] =	ssyncadd.s32 $0xFFFFE000  }
0x2e: {  	[tilespmem:s22], [sflag:$0x1] =	stream.indirect.gather [hbm4b:s0+s21], $0x80, s24, s21, $0xb8;
	[tilespmem:$0x1CC00] =	vst v63  }
0x2f: {  	_ =	swait.ge [sflag:s23], $0x2000  }
0x30: {  	[sflag:s23] =	ssyncset.done $0x0  }
0x31: {  	[sflag:s23] =	ssyncadd.s32 $0xFFFFE000  }
0x32: {  	[hbm4b:s12+s4] =	stream.linear.scatter [tilespmem:s22], [sflag:$0x2], $0x2000, $0x38;
	[tilespmem:$0x1CC00] =	vst v63  }
0x33: {  	_ =	swait.ge [sflag:s16], $0x2000  }
0x34: {  	[sflag:s16] =	ssyncset.done $0x0  }
0x35: {  	[sflag:s16] =	ssyncadd.s32 $0xFFFFE000  }
0x36: {  	[tilespmem:s22], [sflag:$0x1] =	stream.indirect.gather [hbm4b:s0+s21], $0x80, s25, s21, $0xb8;
	[tilespmem:$0x1CC00] =	vst v63  }
0x37: {  	_ =	swait.ge [sflag:s23], $0x2000  }
0x38: {  	[sflag:s23] =	ssyncset.done $0x0  }
0x39: {  	[sflag:s23] =	ssyncadd.s32 $0xFFFFE000  }
0x3a: {  	[hbm4b:s13+s4] =	stream.linear.scatter [tilespmem:s22], [sflag:$0x2], $0x2000, $0x38;
	[tilespmem:$0x1CC00] =	vst v63  }
0x3b: {  	_ =	swait.ge [sflag:s16], $0x2000  }
0x3c: {  	[sflag:s16] =	ssyncset.done $0x0  }
0x3d: {  	[sflag:s16] =	ssyncadd.s32 $0xFFFFE000  }
0x3e: {  	[tilespmem:s22], [sflag:$0x1] =	stream.indirect.gather [hbm4b:s0+s21], $0x80, s26, s21, $0xb8;
	[tilespmem:$0x1CC00] =	vst v63  }
0x3f: {  	_ =	swait.ge [sflag:s23], $0x2000  }
0x40: {  	[sflag:s23] =	ssyncset.done $0x0  }
0x41: {  	[sflag:s23] =	ssyncadd.s32 $0xFFFFE000  }
0x42: {  	[hbm4b:s14+s4] =	stream.linear.scatter [tilespmem:s22], [sflag:$0x2], $0x2000, $0x38;
	[tilespmem:$0x1CC00] =	vst v63  }
0x43: {  	_ =	swait.ge [sflag:s16], $0x2000  }
0x44: {  	[sflag:s16] =	ssyncset.done $0x0  }
0x45: {  	[sflag:s16] =	ssyncadd.s32 $0xFFFFE000  }
0x46: {  	[tilespmem:s22], [sflag:$0x1] =	stream.indirect.gather [hbm4b:s0+s21], $0x80, s28, s21, $0xb8;
	[tilespmem:$0x1CC00] =	vst v63  }
0x47: {  	_ =	swait.ge [sflag:s23], $0x2000  }
0x48: {  	[sflag:s23] =	ssyncset.done $0x0  }
0x49: {  	[sflag:s23] =	ssyncadd.s32 $0xFFFFE000  }
0x4a: {  	[hbm4b:s15+s4] =	stream.linear.scatter [tilespmem:s22], [sflag:$0x2], $0x2000, $0x38;
	[tilespmem:$0x1CC00] =	vst v63  }
0x4b: {  	_ =	swait.ge [sflag:s16], $0x2000  }
0x4c: {  	[sflag:s16] =	ssyncset.done $0x0  }
0x4d: {  	s30 =	simm.s32 $0x400;
	[sflag:s16] =	ssyncadd.s32 $0xFFFFE000  }
0x4e: {  	[spmem:s3] =	stream.indirect.scatter.add.f32 [tilespmem:s18], [sflag:$0x2], $0x80, s30, s24, $0xb8;
	[tilespmem:$0x1CC00] =	vst v63  }
0x4f: {  	s30 =	simm.s32 $0x200;
	_ =	swait.ge [sflag:s16], $0x4000  }
.LBB2_2:
0x50: {  	s31 =	sshra.s32 s30, $0x2;
	[sflag:s16] =	ssyncset.done $0x0;
	p0 =	sne.s32 s30, $0x9E00  }
.Ltmp0:
0x51: {  	s31 =	sadd.s32 $0x400, s31;
	[sflag:s16] =	ssyncadd.s32 $0xFFFFC000;
	(pc) =	sbr.rel @p0 .LBB2_2-.Ltmp0, $3  }
0x52: {  	[spmem:s3] =	stream.indirect.scatter.add.f32 [tilespmem:s18], [sflag:$0x2], $0x80, s31, s24, $0xb8;
	[tilespmem:$0x1CC00] =	vst v63  }
0x53: {  	s30 =	sadd.s32 $0x200, s30;
	_ =	sdelay $0x1  }
0x54: {  	_ =	swait.ge [sflag:s16], $0x4000  }
0x55: {  	[sflag:s16] =	ssyncset.done $0x0;
	s29 =	sadd.s32 $0x1, s29  }
0x56: {  	[sflag:s16] =	ssyncadd.s32 $0xFFFFC000;
	p0 =	sne.s32 s29, s10  }
.Ltmp1:
0x57: {  	[bflag:$0x0] =	sbarrier.arrive $0xFFFF;
	(pc) =	sbr.rel @p0 .LBB2_1-.Ltmp1, $4  }
0x58: {  	[hbm:s9], [sflag:s19] =	dma.local [spmem:s20], $0x2800  }
0x59: {  	_ =	swait.ge [sflag:s16], $0x2800  }
0x5a: {  	[sflag:s16] =	ssyncset.done $0x0  }
0x5b: {  	[sflag:s16] =	ssyncadd.s32 $0xFFFFD800  }
0x5c: {  	_ =	sfence.sel $0x180000  }
0x5d: {  	[bflag:$0x0] =	sbarrier.arrive $0xFFFF  }
0x5e: {  	p0 =	sne.s32 s2, $0x0;
	_ =	strace $0x90000047  }
0x5f: {  	s0 =	sadd.s32 @!p0 $0x100000, s1;
	[bflag:$0x2] =	sbarrier.arrive $0xFFFF  }
0x60: {  	[sflag:s0] =	ssyncadd.tile.s32 @!p0 $0x1;
	_ =	shalt  }
.Lfunc_end2:
_tile_overlayer_lowered:
.L_overlay_start_2:
0x61: {  	(tag) =	ssettag $0x2  }
0x62: {  	s0 =	rddreg [dreg:$0x0];
	s2 =	stileid.u32  }
0x63: {  	s1 =	rddreg [dreg:$0x1];
	p0 =	sne.s32 s2, $0x0  }
0x64: {  	s3 =	rddreg [dreg:$0x2];
	[bflag:$0x3] =	sbarrier.arrive $0xFFFF;
	s2 =	simm.s32 @!p0 $0x1C02  }
0x65: {  	[timem:s3], [sflag:s2] =	dma.local @!p0 [hbm:s0], s1  }
0x66: {  	s0 =	simm.s32 @!p0 $0x2  }
0x67: {  	_ =	swait.ge @!p0 [sflag:s0], s1  }
0x68: {  	s1 =	ssub.s32 @!p0 $0x0, s1;
	[sflag:s0] =	ssyncset.done @!p0 $0x0  }
0x69: {  	[sflag:s0] =	ssyncadd.s32 @!p0 s1  }
0x6a: {  	[bflag:$0x3] =	sbarrier.arrive $0xFFFF  }
0x6b: {  	_ =	shalt  }

</sc_bundles>
